<compile_context>
chip_gen: v7x
topology: tpu7x:2x2x1
jax: 0.10.2.dev20260603
libtpu: 0.0.44.dev20260713+nightly
codegen_flags: <defaults>
</compile_context>

<pallas_src>
import jax
import jax.numpy as jnp
from jax import lax
from jax.experimental import pallas as pl
from jax.experimental.pallas import tpu as pltpu
from jax.experimental.pallas import tpu_sc as plsc

N = 10000
E = 320000
D = 128
D_OUT = 64

NC = 2
NS = 16
L = 16
NW = NC * NS

C = 125
W = 8
NWIN = 10
CHUNKS = W * NWIN
N_PAD = 10240
RPS = N_PAD // NS
R_BLK = 2000
SUB = 64


def _mesh():
    return plsc.VectorSubcoreMesh(core_axis_name="c", subcore_axis_name="s")


def _deg_body(edge_hbm, out_hbm, ibuf, ones_v, zeros_v, acc, semi, sems):
    c = lax.axis_index("c")
    s = lax.axis_index("s")
    wid = s * NC + c

    def idx_start(w):
        pltpu.make_async_copy(edge_hbm.at[1, wid, pl.ds(w * W, W)],
                              ibuf.at[w % 2], semi).start()

    idx_start(0)

    @pl.loop(0, C // L + 1)
    def _fill(i):
        ones_v[pl.ds(i * L, L)] = jnp.ones((L,), jnp.float32)

    @pl.loop(0, RPS // L)
    def _fillz(i):
        zeros_v[pl.ds(i * L, L)] = jnp.zeros((L,), jnp.float32)

    pltpu.sync_copy(zeros_v, acc.at[pl.ds(s * RPS, RPS)])
    plsc.subcore_barrier()

    @pl.loop(0, NWIN)
    def _win(w):
        pltpu.make_async_copy(edge_hbm.at[1, wid, pl.ds(0, W)],
                              ibuf.at[0], semi).wait()

        @pl.when(w + 1 < NWIN)
        def _():
            idx_start(w + 1)

        wb = w % 2
        for j in range(W):
            pltpu.async_copy(ones_v.at[pl.ds(0, C)], acc.at[ibuf.at[wb, j]],
                             sems, add=True)

    @pl.loop(0, CHUNKS)
    def _drain(j):
        pltpu.make_async_copy(ones_v.at[pl.ds(0, C)], acc.at[ibuf.at[0, 0]],
                              sems).wait()

    plsc.subcore_barrier()
    pltpu.sync_copy(acc.at[pl.ds(s * RPS, RPS)], out_hbm.at[c, pl.ds(s * RPS, RPS)])


@jax.jit
def _deg_call(edges):
    return pl.kernel(
        _deg_body,
        out_type=jax.ShapeDtypeStruct((NC, N_PAD), jnp.float32),
        mesh=_mesh(),
        scratch_types=[
            pltpu.VMEM((2, W, C), jnp.int32),
            pltpu.VMEM((C // L * L + L,), jnp.float32),
            pltpu.VMEM((RPS,), jnp.float32),
            pltpu.VMEM_SHARED((N_PAD,), jnp.float32),
            pltpu.SemaphoreType.DMA,
            pltpu.SemaphoreType.DMA,
        ],
    )(edges)


def _agg_body(table_hbm, edge_hbm, out_hbm, ibuf, rows, zbuf, acc,
              semi, sem0, sem1, semz):
    c = lax.axis_index("c")
    s = lax.axis_index("s")
    wid = s * NC + c

    def idx_start(w):
        pltpu.make_async_copy(edge_hbm.at[0, wid, pl.ds(w * W, W)],
                              ibuf.at[w % 2, 0], semi).start()
        pltpu.make_async_copy(edge_hbm.at[1, wid, pl.ds(w * W, W)],
                              ibuf.at[w % 2, 1], semi).start()

    def idx_wait():
        pltpu.make_async_copy(edge_hbm.at[0, 0, pl.ds(0, W)],
                              ibuf.at[0, 0], semi).wait()
        pltpu.make_async_copy(edge_hbm.at[0, 0, pl.ds(0, W)],
                              ibuf.at[0, 1], semi).wait()

    def g_start(t, b, sem):
        pltpu.make_async_copy(table_hbm.at[ibuf.at[(t // W) % 2, 0, t % W]],
                              rows.at[b], sem).start()

    def g_wait(b, sem):
        pltpu.make_async_copy(table_hbm.at[ibuf.at[0, 0, 0]],
                              rows.at[b], sem).wait()

    def scat(t, b):
        pltpu.sync_copy(rows.at[b], acc.at[ibuf.at[(t // W) % 2, 1, t % W]],
                        add=True)

    idx_start(0)

    @pl.loop(0, SUB)
    def _fill(i):
        for k in range(D // L):
            zbuf[i, pl.ds(k * L, L)] = jnp.zeros((L,), jnp.float32)

    idx_wait()
    idx_start(1)
    g_start(0, 0, sem0)
    g_start(1, 1, sem1)

    @pl.loop(0, RPS // SUB)
    def _zero(k):
        pltpu.async_copy(zbuf, acc.at[pl.ds(s * RPS + k * SUB, SUB)], semz)

    @pl.loop(0, RPS // SUB)
    def _zdrain(k):
        pltpu.make_async_copy(zbuf, acc.at[pl.ds(0, SUB)], semz).wait()

    plsc.subcore_barrier()

    @pl.loop(0, CHUNKS, step=2)
    def _main(t):
        g_wait(0, sem0)
        scat(t, 0)
        bnd = ((t + 2) % W == 0) & (t + 2 < CHUNKS)

        @pl.when(bnd)
        def _():
            idx_wait()

        @pl.when(t + 2 < CHUNKS)
        def _():
            g_start(t + 2, 0, sem0)

        g_wait(1, sem1)
        scat(t + 1, 1)

        @pl.when(t + 3 < CHUNKS)
        def _():
            g_start(t + 3, 1, sem1)

        @pl.when(bnd & ((t + 2) // W + 1 < NWIN))
        def _():
            idx_start((t + 2) // W + 1)

    plsc.subcore_barrier()
    pltpu.sync_copy(acc.at[pl.ds(s * RPS, RPS)],
                    out_hbm.at[c, pl.ds(s * RPS, RPS)])


@jax.jit
def _agg_call(table, edges):
    return pl.kernel(
        _agg_body,
        out_type=jax.ShapeDtypeStruct((NC, N_PAD, D), jnp.float32),
        mesh=_mesh(),
        scratch_types=[
            pltpu.VMEM((2, 2, W, C), jnp.int32),
            pltpu.VMEM((2, C, D), jnp.float32),
            pltpu.VMEM((SUB, D), jnp.float32),
            pltpu.VMEM_SHARED((N_PAD, D), jnp.float32),
            pltpu.SemaphoreType.DMA,
            pltpu.SemaphoreType.DMA,
            pltpu.SemaphoreType.DMA,
            pltpu.SemaphoreType.DMA,
        ],
    )(table, edges)


def _dinv_col(degp_ref):
    deg = degp_ref[:, 0:1] + degp_ref[:, 1:2] + 1.0
    return lax.rsqrt(deg)


def _tc1_body(degp_ref, x_ref, xs_ref):
    xs_ref[...] = x_ref[...] * _dinv_col(degp_ref)


@jax.jit
def _tc1_call(degp, x):
    return pl.pallas_call(
        _tc1_body,
        grid=(N // R_BLK,),
        in_specs=[
            pl.BlockSpec((R_BLK, NC), lambda i: (i, 0)),
            pl.BlockSpec((R_BLK, D), lambda i: (i, 0)),
        ],
        out_specs=pl.BlockSpec((R_BLK, D), lambda i: (i, 0)),
        out_shape=jax.ShapeDtypeStruct((N, D), jnp.float32),
    )(degp, x)


def _tc2_body(degp_ref, p_ref, xs_ref, w_ref, b_ref, hs_ref):
    dinv = _dinv_col(degp_ref)
    t = dinv * (p_ref[0] + p_ref[1] + xs_ref[...])
    h = jnp.dot(t, w_ref[...], preferred_element_type=jnp.float32) + b_ref[...]
    hs_ref[...] = dinv * jnp.maximum(h, 0.0)


@jax.jit
def _tc2_call(degp, p, xs, W1, b1):
    return pl.pallas_call(
        _tc2_body,
        grid=(N // R_BLK,),
        in_specs=[
            pl.BlockSpec((R_BLK, NC), lambda i: (i, 0)),
            pl.BlockSpec((NC, R_BLK, D), lambda i: (0, i, 0)),
            pl.BlockSpec((R_BLK, D), lambda i: (i, 0)),
            pl.BlockSpec((D, D), lambda i: (0, 0)),
            pl.BlockSpec((1, D), lambda i: (0, 0)),
        ],
        out_specs=pl.BlockSpec((R_BLK, D), lambda i: (i, 0)),
        out_shape=jax.ShapeDtypeStruct((N, D), jnp.float32),
    )(degp, p, xs, W1, b1)


def _tc3_body(degp_ref, q_ref, hs_ref, wmu_ref, wls_ref, bmu_ref, bls_ref,
              mu_ref, ls_ref):
    g = _dinv_col(degp_ref) * (q_ref[0] + q_ref[1] + hs_ref[...])
    mu_ref[...] = (
        jnp.dot(g, wmu_ref[...], preferred_element_type=jnp.float32)
        + bmu_ref[...]
    )
    ls_ref[...] = (
        jnp.dot(g, wls_ref[...], preferred_element_type=jnp.float32)
        + bls_ref[...]
    )


@jax.jit
def _tc3_call(degp, q, hs, W_mu, W_ls, b_mu, b_ls):
    return pl.pallas_call(
        _tc3_body,
        grid=(N // R_BLK,),
        in_specs=[
            pl.BlockSpec((R_BLK, NC), lambda i: (i, 0)),
            pl.BlockSpec((NC, R_BLK, D), lambda i: (0, i, 0)),
            pl.BlockSpec((R_BLK, D), lambda i: (i, 0)),
            pl.BlockSpec((D, D_OUT), lambda i: (0, 0)),
            pl.BlockSpec((D, D_OUT), lambda i: (0, 0)),
            pl.BlockSpec((1, D_OUT), lambda i: (0, 0)),
            pl.BlockSpec((1, D_OUT), lambda i: (0, 0)),
        ],
        out_specs=[
            pl.BlockSpec((R_BLK, D_OUT), lambda i: (i, 0)),
            pl.BlockSpec((R_BLK, D_OUT), lambda i: (i, 0)),
        ],
        out_shape=[
            jax.ShapeDtypeStruct((N, D_OUT), jnp.float32),
            jax.ShapeDtypeStruct((N, D_OUT), jnp.float32),
        ],
    )(degp, q, hs, W_mu, W_ls, b_mu, b_ls)


def kernel(x, edge_index, W1, b1, W_mu, b_mu, W_ls, b_ls):
    edges = edge_index.reshape(2, NW, CHUNKS, C)
    degp = _deg_call(edges).T
    xs = _tc1_call(degp, x)
    p = _agg_call(xs, edges)
    hs = _tc2_call(degp, p, xs, W1, b1.reshape(1, D))
    q = _agg_call(hs, edges)
    return _tc3_call(degp, q, hs, W_mu, W_ls,
                     b_mu.reshape(1, D_OUT), b_ls.reshape(1, D_OUT))

# --- scband reference (transcript-rebuilt; emitter-appended) ---
"""Pipeline reference for scband-variational-graph-conv-encoder-89635967467604 (READ-ONLY COPY).

The authoritative reference and input builder live on the scoring server;
editing this copy changes nothing except your own understanding.
"""

import jax, jax.numpy as jnp
import numpy as np

N = 10000
E = 320000
D_IN = 128
D_HID = 128  # 2 * out_channels
D_OUT = 64


def setup_inputs(seed: int = 0) -> dict:
    key = jax.random.key(seed)
    ks = jax.random.split(key, 10)
    x = jax.random.normal(ks[0], (N, D_IN), dtype=jnp.float32)
    edge_index = jax.random.randint(ks[1], (2, E), 0, N, dtype=jnp.int32)
    W1 = jax.random.normal(ks[2], (D_IN, D_HID), dtype=jnp.float32) / np.sqrt(D_IN)
    b1 = jnp.zeros((D_HID,), dtype=jnp.float32)
    W_mu = jax.random.normal(ks[3], (D_HID, D_OUT), dtype=jnp.float32) / np.sqrt(D_HID)
    b_mu = jnp.zeros((D_OUT,), dtype=jnp.float32)
    W_ls = jax.random.normal(ks[4], (D_HID, D_OUT), dtype=jnp.float32) / np.sqrt(D_HID)
    b_ls = jnp.zeros((D_OUT,), dtype=jnp.float32)
    return {"x": x, "edge_index": edge_index, "W1": W1, "b1": b1,
            "W_mu": W_mu, "b_mu": b_mu, "W_ls": W_ls, "b_ls": b_ls}


def gcn(x, edge_index, W, b):
    # GCNConv semantics (cached=True in the original implies GCN-style sym norm):
    # out = D^{-1/2} (A + I) D^{-1/2} (x @ W) + b
    n = x.shape[0]
    loops = jnp.arange(n, dtype=edge_index.dtype)
    src = jnp.concatenate([edge_index[0], loops])
    dst = jnp.concatenate([edge_index[1], loops])
    deg = jax.ops.segment_sum(jnp.ones_like(src, dtype=x.dtype), dst, num_segments=n)
    dinv = jax.lax.rsqrt(jnp.maximum(deg, 1e-12))
    norm = dinv[src] * dinv[dst]
    xw = x @ W
    msg = jnp.take(xw, src, axis=0) * norm[:, None]
    out = jax.ops.segment_sum(msg, dst, num_segments=n)
    return out + b


def reference(x, edge_index, W1, b1, W_mu, b_mu, W_ls, b_ls):
    h = jax.nn.relu(gcn(x, edge_index, W1, b1))
    # Dropout is identity in eval mode
    mu = gcn(h, edge_index, W_mu, b_mu)
    logstd = gcn(h, edge_index, W_ls, b_ls)
    return (mu, logstd)

if __name__ == "__main__":
    import jax
    _d = setup_inputs()
    print(jax.jit(kernel)(*tuple(_d.values())))

</pallas_src>

<mosaic_0001>
#map = affine_map<(d0, d1) -> (0, 0, 0, 0)>
#map1 = affine_map<(d0, d1) -> (0, 0)>
module attributes {stable_mosaic.version = 14 : i64} {
  func.func @_deg_body(%arg0: i32, %arg1: i32, %arg2: memref<2x32x80x125xi32, #tpu.memory_space<hbm>>, %arg3: memref<2x10240xf32, #tpu.memory_space<hbm>>, %arg4: memref<2x8x125xi32, #tpu.memory_space<vmem>>, %arg5: memref<128xf32, #tpu.memory_space<vmem>>, %arg6: memref<640xf32, #tpu.memory_space<vmem>>, %arg7: memref<10240xf32, #tpu.memory_space<vmem_shared>>, %arg8: memref<!tpu.dma_semaphore, #tpu.memory_space<semaphore_mem>>, %arg9: memref<!tpu.dma_semaphore, #tpu.memory_space<semaphore_mem>>) attributes {dimension_semantics = [#tpu.dimension_semantics<core_parallel>, #tpu.dimension_semantics<subcore_parallel>], iteration_bounds = array<i64: 2, 16>, scalar_prefetch = 0 : i64, scratch_operands = 6 : i64, tpu.core_type = #tpu.core_type<sc_vector_subcore>, window_params = [{transform_indices = #map}, {transform_indices = #map1}]} {
    %mul3A = arith.constant 2 : i32
    %mul3A_0 = arith.muli %arg1, %mul3A : i32
    %add3A = arith.addi %mul3A_0, %arg0 : i32
    %dma_start3A = arith.constant 1 : i32
    %dma_start3A_1 = arith.constant 0 : i32
    %dma_start3A_2 = arith.constant 0 : i32
    %dma_start3A_3 = arith.constant 0 : i32
    %dma_start3A_4 = tpu.memref_slice %arg4[%dma_start3A_1, %dma_start3A_2, %dma_start3A_3] : memref<2x8x125xi32, #tpu.memory_space<vmem>> -> memref<1x8x125xi32, #tpu.memory_space<vmem>>
    %dma_start3A_5 = tpu.memref_squeeze %dma_start3A_4 : memref<1x8x125xi32, #tpu.memory_space<vmem>> -> memref<8x125xi32, #tpu.memory_space<vmem>>
    %dma_start3A_6 = arith.constant 0 : i32
    %dma_start3A_7 = arith.constant 0 : i32
    %dma_start3A_8 = tpu.memref_slice %arg2[%dma_start3A, %add3A, %dma_start3A_6, %dma_start3A_7] : memref<2x32x80x125xi32, #tpu.memory_space<hbm>> -> memref<1x1x8x125xi32, #tpu.memory_space<hbm>>
    %dma_start3A_9 = tpu.memref_squeeze %dma_start3A_8 : memref<1x1x8x125xi32, #tpu.memory_space<hbm>> -> memref<8x125xi32, #tpu.memory_space<hbm>>
    %dma_start3A_10 = arith.constant 0 : i32
    %dma_start3A_11 = arith.constant 0 : i32
    %dma_start3A_12 = tpu.memref_slice %arg4[%dma_start3A_1, %dma_start3A_10, %dma_start3A_11] : memref<2x8x125xi32, #tpu.memory_space<vmem>> -> memref<1x8x125xi32, #tpu.memory_space<vmem>>
    %dma_start3A_13 = tpu.memref_squeeze %dma_start3A_12 : memref<1x8x125xi32, #tpu.memory_space<vmem>> -> memref<8x125xi32, #tpu.memory_space<vmem>>
    %dma_start3A_14 = arith.constant 0 : i32
    %dma_start3A_15 = arith.constant 0 : i32
    %dma_start3A_16 = tpu.memref_slice %arg2[%dma_start3A, %add3A, %dma_start3A_14, %dma_start3A_15] : memref<2x32x80x125xi32, #tpu.memory_space<hbm>> -> memref<1x1x8x125xi32, #tpu.memory_space<hbm>>
    %dma_start3A_17 = tpu.memref_squeeze %dma_start3A_16 : memref<1x1x8x125xi32, #tpu.memory_space<hbm>> -> memref<8x125xi32, #tpu.memory_space<hbm>>
    tpu.enqueue_dma source(%dma_start3A_17 : memref<8x125xi32, #tpu.memory_space<hbm>>) target(%dma_start3A_13 : memref<8x125xi32, #tpu.memory_space<vmem>>) target_semaphore(%arg8 : memref<!tpu.dma_semaphore, #tpu.memory_space<semaphore_mem>>)
    %scan3A = arith.constant 0 : i32
    %scan3A_18 = arith.constant 8 : i32
    %scan3A_19 = arith.addi %scan3A, %scan3A_18 : i32
    %scan3A_20 = arith.constant 1 : i32
    scf.for %scan3A_44 = %scan3A to %scan3A_19 step %scan3A_20  : i32 {
      %mul3A_45 = arith.constant 1 : i32
      %mul3A_46 = arith.muli %scan3A_44, %mul3A_45 : i32
      %add3A_47 = arith.constant 0 : i32
      %add3A_48 = arith.addi %add3A_47, %mul3A_46 : i32
      %broadcast_in_dim3A = arith.constant 1.000000e+00 : f32
      %broadcast_in_dim3A_49 = vector.broadcast %broadcast_in_dim3A : f32 to vector<16xf32>
      %mul3A_50 = arith.constant 16 : i32
      %mul3A_51 = arith.muli %add3A_48, %mul3A_50 : i32
      %swap3A = arith.index_cast %mul3A_51 : i32 to index
      %swap3A_52 = tpu.vector_load %arg5[%swap3A] {strides = array<i32>} : memref<128xf32, #tpu.memory_space<vmem>>, vector<16xf32>,
      %swap3A_53 = vector.shape_cast %swap3A_52 : vector<16xf32> to vector<16xf32>
      %swap3A_54 = vector.shape_cast %broadcast_in_dim3A_49 : vector<16xf32> to vector<16xf32>
      tpu.vector_store %arg5[%swap3A], %swap3A_54 {strides = array<i32>} : memref<128xf32, #tpu.memory_space<vmem>>, vector<16xf32>,
    }
    %scan3A_21 = arith.constant 8 : i32
    %scan3A_22 = arith.constant 0 : i32
    %scan3A_23 = arith.constant 40 : i32
    %scan3A_24 = arith.addi %scan3A_22, %scan3A_23 : i32
    %scan3A_25 = arith.constant 1 : i32
    scf.for %scan3A_44 = %scan3A_22 to %scan3A_24 step %scan3A_25  : i32 {
      %mul3A_45 = arith.constant 1 : i32
      %mul3A_46 = arith.muli %scan3A_44, %mul3A_45 : i32
      %add3A_47 = arith.constant 0 : i32
      %add3A_48 = arith.addi %add3A_47, %mul3A_46 : i32
      %broadcast_in_dim3A = arith.constant 0.000000e+00 : f32
      %broadcast_in_dim3A_49 = vector.broadcast %broadcast_in_dim3A : f32 to vector<16xf32>
      %mul3A_50 = arith.constant 16 : i32
      %mul3A_51 = arith.muli %add3A_48, %mul3A_50 : i32
      %swap3A = arith.index_cast %mul3A_51 : i32 to index
      %swap3A_52 = tpu.vector_load %arg6[%swap3A] {strides = array<i32>} : memref<640xf32, #tpu.memory_space<vmem>>, vector<16xf32>,
      %swap3A_53 = vector.shape_cast %swap3A_52 : vector<16xf32> to vector<16xf32>
      %swap3A_54 = vector.shape_cast %broadcast_in_dim3A_49 : vector<16xf32> to vector<16xf32>
      tpu.vector_store %arg6[%swap3A], %swap3A_54 {strides = array<i32>} : memref<640xf32, #tpu.memory_space<vmem>>, vector<16xf32>,
    }
    %scan3A_26 = arith.constant 40 : i32
    %mul3A_27 = arith.constant 640 : i32
    %mul3A_28 = arith.muli %arg1, %mul3A_27 : i32
    "tpu.region"() ({
      %run_scoped3A = tpu.sem_alloc : memref<!tpu.dma_semaphore, #tpu.memory_space<semaphore_mem>>
      %dma_start3A_44 = tpu.memref_slice %arg7[%mul3A_28] : memref<10240xf32, #tpu.memory_space<vmem_shared>> -> memref<640xf32, #tpu.memory_space<vmem_shared>>
      %dma_start3A_45 = tpu.memref_slice %arg7[%mul3A_28] : memref<10240xf32, #tpu.memory_space<vmem_shared>> -> memref<640xf32, #tpu.memory_space<vmem_shared>>
      tpu.enqueue_dma source(%arg6 : memref<640xf32, #tpu.memory_space<vmem>>) target(%dma_start3A_45 : memref<640xf32, #tpu.memory_space<vmem_shared>>) target_semaphore(%run_scoped3A : memref<!tpu.dma_semaphore, #tpu.memory_space<semaphore_mem>>)
      %dma_wait3A = tpu.memref_slice %arg7[%mul3A_28] : memref<10240xf32, #tpu.memory_space<vmem_shared>> -> memref<640xf32, #tpu.memory_space<vmem_shared>>
      %dma_wait3A_46 = tpu.memref_slice %arg7[%mul3A_28] : memref<10240xf32, #tpu.memory_space<vmem_shared>> -> memref<640xf32, #tpu.memory_space<vmem_shared>>
      tpu.wait_dma2 semaphore(%run_scoped3A : memref<!tpu.dma_semaphore, #tpu.memory_space<semaphore_mem>>) src(%arg6 : memref<640xf32, #tpu.memory_space<vmem>>) dst(%dma_wait3A_46 : memref<640xf32, #tpu.memory_space<vmem_shared>>)
      tpu.yield
    }) : () -> ()
    %barrier3A = arith.constant 0 : index
    tpu.barrier barrier_id(%barrier3A)
    %scan3A_29 = arith.constant 0 : i32
    %scan3A_30 = arith.constant 10 : i32
    %scan3A_31 = arith.addi %scan3A_29, %scan3A_30 : i32
    %scan3A_32 = arith.constant 1 : i32
    scf.for %scan3A_44 = %scan3A_29 to %scan3A_31 step %scan3A_32  : i32 {
      %mul3A_45 = arith.constant 1 : i32
      %mul3A_46 = arith.muli %scan3A_44, %mul3A_45 : i32
      %add3A_47 = arith.constant 0 : i32
      %add3A_48 = arith.addi %add3A_47, %mul3A_46 : i32
      %dma_wait3A = arith.constant 1 : i32
      %dma_wait3A_49 = arith.constant 0 : i32
      %dma_wait3A_50 = arith.constant 0 : i32
      %dma_wait3A_51 = arith.constant 0 : i32
      %dma_wait3A_52 = tpu.memref_slice %arg4[%dma_wait3A_49, %dma_wait3A_50, %dma_wait3A_51] : memref<2x8x125xi32, #tpu.memory_space<vmem>> -> memref<1x8x125xi32, #tpu.memory_space<vmem>>
      %dma_wait3A_53 = tpu.memref_squeeze %dma_wait3A_52 : memref<1x8x125xi32, #tpu.memory_space<vmem>> -> memref<8x125xi32, #tpu.memory_space<vmem>>
      %dma_wait3A_54 = arith.constant 0 : i32
      %dma_wait3A_55 = arith.constant 0 : i32
      %dma_wait3A_56 = tpu.memref_slice %arg2[%dma_wait3A, %add3A, %dma_wait3A_54, %dma_wait3A_55] : memref<2x32x80x125xi32, #tpu.memory_space<hbm>> -> memref<1x1x8x125xi32, #tpu.memory_space<hbm>>
      %dma_wait3A_57 = tpu.memref_squeeze %dma_wait3A_56 : memref<1x1x8x125xi32, #tpu.memory_space<hbm>> -> memref<8x125xi32, #tpu.memory_space<hbm>>
      %dma_wait3A_58 = arith.constant 0 : i32
      %dma_wait3A_59 = arith.constant 0 : i32
      %dma_wait3A_60 = tpu.memref_slice %arg4[%dma_wait3A_49, %dma_wait3A_58, %dma_wait3A_59] : memref<2x8x125xi32, #tpu.memory_space<vmem>> -> memref<1x8x125xi32, #tpu.memory_space<vmem>>
      %dma_wait3A_61 = tpu.memref_squeeze %dma_wait3A_60 : memref<1x8x125xi32, #tpu.memory_space<vmem>> -> memref<8x125xi32, #tpu.memory_space<vmem>>
      %dma_wait3A_62 = arith.constant 0 : i32
      %dma_wait3A_63 = arith.constant 0 : i32
      %dma_wait3A_64 = tpu.memref_slice %arg2[%dma_wait3A, %add3A, %dma_wait3A_62, %dma_wait3A_63] : memref<2x32x80x125xi32, #tpu.memory_space<hbm>> -> memref<1x1x8x125xi32, #tpu.memory_space<hbm>>
      %dma_wait3A_65 = tpu.memref_squeeze %dma_wait3A_64 : memref<1x1x8x125xi32, #tpu.memory_space<hbm>> -> memref<8x125xi32, #tpu.memory_space<hbm>>
      tpu.wait_dma2 semaphore(%arg8 : memref<!tpu.dma_semaphore, #tpu.memory_space<semaphore_mem>>) src(%dma_wait3A_65 : memref<8x125xi32, #tpu.memory_space<hbm>>) dst(%dma_wait3A_61 : memref<8x125xi32, #tpu.memory_space<vmem>>)
      %add3A_66 = arith.constant 1 : i32
      %add3A_67 = arith.addi %add3A_48, %add3A_66 : i32
      %lt3A = arith.constant 10 : i32
      %lt3A_68 = arith.cmpi slt, %add3A_67, %lt3A : i32
      %convert_element_type3A = arith.extui %lt3A_68 : i1 to i32
      %cond3A = arith.constant 0 : i32
      %cond3A_69 = arith.cmpi ne, %convert_element_type3A, %cond3A : i32
      scf.if %cond3A_69 {
        %add3A_144 = arith.constant 1 : i32
        %add3A_145 = arith.addi %add3A_48, %add3A_144 : i32
        %mul3A_146 = arith.constant 8 : i32
        %mul3A_147 = arith.muli %add3A_145, %mul3A_146 : i32
        %jit3A_148 = arith.constant 2 : i32
        %eq3A_149 = arith.constant 0 : i32
        %eq3A_150 = arith.cmpi eq, %jit3A_148, %eq3A_149 : i32
        %jit3A_151 = arith.constant 1 : i32
        %select_n3A_152 = arith.select %eq3A_150, %jit3A_151, %jit3A_148 : i32
        %rem3A_153 = arith.remsi %add3A_145, %select_n3A_152 : i32
        %ne3A_154 = arith.constant 0 : i32
        %ne3A_155 = arith.cmpi ne, %rem3A_153, %ne3A_154 : i32
        %lt3A_156 = arith.constant 0 : i32
        %lt3A_157 = arith.cmpi slt, %rem3A_153, %lt3A_156 : i32
        %lt3A_158 = arith.constant 0 : i32
        %lt3A_159 = arith.cmpi slt, %select_n3A_152, %lt3A_158 : i32
        %ne3A_160 = arith.xori %lt3A_157, %lt3A_159 : i1
        %and3A_161 = arith.andi %ne3A_160, %ne3A_155 : i1
        %add3A_162 = arith.addi %rem3A_153, %select_n3A_152 : i32
        %select_n3A_163 = arith.select %and3A_161, %add3A_162, %rem3A_153 : i32
        %dma_start3A_164 = arith.constant 1 : i32
        %dma_start3A_165 = arith.constant 0 : i32
        %dma_start3A_166 = arith.constant 0 : i32
        %dma_start3A_167 = tpu.memref_slice %arg4[%select_n3A_163, %dma_start3A_165, %dma_start3A_166] : memref<2x8x125xi32, #tpu.memory_space<vmem>> -> memref<1x8x125xi32, #tpu.memory_space<vmem>>
        %dma_start3A_168 = tpu.memref_squeeze %dma_start3A_167 : memref<1x8x125xi32, #tpu.memory_space<vmem>> -> memref<8x125xi32, #tpu.memory_space<vmem>>
        %dma_start3A_169 = arith.constant 0 : i32
        %dma_start3A_170 = tpu.memref_slice %arg2[%dma_start3A_164, %add3A, %mul3A_147, %dma_start3A_169] : memref<2x32x80x125xi32, #tpu.memory_space<hbm>> -> memref<1x1x8x125xi32, #tpu.memory_space<hbm>>
        %dma_start3A_171 = tpu.memref_squeeze %dma_start3A_170 : memref<1x1x8x125xi32, #tpu.memory_space<hbm>> -> memref<8x125xi32, #tpu.memory_space<hbm>>
        %dma_start3A_172 = arith.constant 0 : i32
        %dma_start3A_173 = arith.constant 0 : i32
        %dma_start3A_174 = tpu.memref_slice %arg4[%select_n3A_163, %dma_start3A_172, %dma_start3A_173] : memref<2x8x125xi32, #tpu.memory_space<vmem>> -> memref<1x8x125xi32, #tpu.memory_space<vmem>>
        %dma_start3A_175 = tpu.memref_squeeze %dma_start3A_174 : memref<1x8x125xi32, #tpu.memory_space<vmem>> -> memref<8x125xi32, #tpu.memory_space<vmem>>
        %dma_start3A_176 = arith.constant 0 : i32
        %dma_start3A_177 = tpu.memref_slice %arg2[%dma_start3A_164, %add3A, %mul3A_147, %dma_start3A_176] : memref<2x32x80x125xi32, #tpu.memory_space<hbm>> -> memref<1x1x8x125xi32, #tpu.memory_space<hbm>>
        %dma_start3A_178 = tpu.memref_squeeze %dma_start3A_177 : memref<1x1x8x125xi32, #tpu.memory_space<hbm>> -> memref<8x125xi32, #tpu.memory_space<hbm>>
        tpu.enqueue_dma source(%dma_start3A_178 : memref<8x125xi32, #tpu.memory_space<hbm>>) target(%dma_start3A_175 : memref<8x125xi32, #tpu.memory_space<vmem>>) target_semaphore(%arg8 : memref<!tpu.dma_semaphore, #tpu.memory_space<semaphore_mem>>)
      } else {
      }
      %jit3A = arith.constant 2 : i32
      %eq3A = arith.constant 0 : i32
      %eq3A_70 = arith.cmpi eq, %jit3A, %eq3A : i32
      %jit3A_71 = arith.constant 1 : i32
      %select_n3A = arith.select %eq3A_70, %jit3A_71, %jit3A : i32
      %rem3A = arith.remsi %add3A_48, %select_n3A : i32
      %ne3A = arith.constant 0 : i32
      %ne3A_72 = arith.cmpi ne, %rem3A, %ne3A : i32
      %lt3A_73 = arith.constant 0 : i32
      %lt3A_74 = arith.cmpi slt, %rem3A, %lt3A_73 : i32
      %lt3A_75 = arith.constant 0 : i32
      %lt3A_76 = arith.cmpi slt, %select_n3A, %lt3A_75 : i32
      %ne3A_77 = arith.xori %lt3A_74, %lt3A_76 : i1
      %and3A = arith.andi %ne3A_77, %ne3A_72 : i1
      %add3A_78 = arith.addi %rem3A, %select_n3A : i32
      %select_n3A_79 = arith.select %and3A, %add3A_78, %rem3A : i32
      %dma_start3A_80 = arith.constant 0 : i32
      %dma_start3A_81 = arith.constant 0 : i32
      %dma_start3A_82 = tpu.memref_slice %arg5[%dma_start3A_81] : memref<128xf32, #tpu.memory_space<vmem>> -> memref<125xf32, #tpu.memory_space<vmem>>
      %dma_start3A_83 = arith.constant 0 : i32
      %dma_start3A_84 = tpu.memref_slice %arg4[%select_n3A_79, %dma_start3A_80, %dma_start3A_83] : memref<2x8x125xi32, #tpu.memory_space<vmem>> -> memref<1x1x125xi32, #tpu.memory_space<vmem>>
      %dma_start3A_85 = tpu.memref_squeeze %dma_start3A_84 : memref<1x1x125xi32, #tpu.memory_space<vmem>> -> memref<125xi32, #tpu.memory_space<vmem>>
      %dma_start3A_86 = arith.constant 0 : i32
      %dma_start3A_87 = tpu.memref_slice %arg7[%dma_start3A_86] : memref<10240xf32, #tpu.memory_space<vmem_shared>> -> memref<10240xf32, #tpu.memory_space<vmem_shared>>
      tpu.enqueue_indirect_dma source(%dma_start3A_82 : memref<125xf32, #tpu.memory_space<vmem>>) target(%dma_start3A_87 : memref<10240xf32, #tpu.memory_space<vmem_shared>>) offsets(%dma_start3A_85 : memref<125xi32, #tpu.memory_space<vmem>>) semaphore(%arg9 : memref<!tpu.dma_semaphore, #tpu.memory_space<semaphore_mem>>) {add = true}
      %dma_start3A_88 = arith.constant 1 : i32
      %dma_start3A_89 = arith.constant 0 : i32
      %dma_start3A_90 = tpu.memref_slice %arg5[%dma_start3A_89] : memref<128xf32, #tpu.memory_space<vmem>> -> memref<125xf32, #tpu.memory_space<vmem>>
      %dma_start3A_91 = arith.constant 0 : i32
      %dma_start3A_92 = tpu.memref_slice %arg4[%select_n3A_79, %dma_start3A_88, %dma_start3A_91] : memref<2x8x125xi32, #tpu.memory_space<vmem>> -> memref<1x1x125xi32, #tpu.memory_space<vmem>>
      %dma_start3A_93 = tpu.memref_squeeze %dma_start3A_92 : memref<1x1x125xi32, #tpu.memory_space<vmem>> -> memref<125xi32, #tpu.memory_space<vmem>>
      %dma_start3A_94 = arith.constant 0 : i32
      %dma_start3A_95 = tpu.memref_slice %arg7[%dma_start3A_94] : memref<10240xf32, #tpu.memory_space<vmem_shared>> -> memref<10240xf32, #tpu.memory_space<vmem_shared>>
      tpu.enqueue_indirect_dma source(%dma_start3A_90 : memref<125xf32, #tpu.memory_space<vmem>>) target(%dma_start3A_95 : memref<10240xf32, #tpu.memory_space<vmem_shared>>) offsets(%dma_start3A_93 : memref<125xi32, #tpu.memory_space<vmem>>) semaphore(%arg9 : memref<!tpu.dma_semaphore, #tpu.memory_space<semaphore_mem>>) {add = true}
      %dma_start3A_96 = arith.constant 2 : i32
      %dma_start3A_97 = arith.constant 0 : i32
      %dma_start3A_98 = tpu.memref_slice %arg5[%dma_start3A_97] : memref<128xf32, #tpu.memory_space<vmem>> -> memref<125xf32, #tpu.memory_space<vmem>>
      %dma_start3A_99 = arith.constant 0 : i32
      %dma_start3A_100 = tpu.memref_slice %arg4[%select_n3A_79, %dma_start3A_96, %dma_start3A_99] : memref<2x8x125xi32, #tpu.memory_space<vmem>> -> memref<1x1x125xi32, #tpu.memory_space<vmem>>
      %dma_start3A_101 = tpu.memref_squeeze %dma_start3A_100 : memref<1x1x125xi32, #tpu.memory_space<vmem>> -> memref<125xi32, #tpu.memory_space<vmem>>
      %dma_start3A_102 = arith.constant 0 : i32
      %dma_start3A_103 = tpu.memref_slice %arg7[%dma_start3A_102] : memref<10240xf32, #tpu.memory_space<vmem_shared>> -> memref<10240xf32, #tpu.memory_space<vmem_shared>>
      tpu.enqueue_indirect_dma source(%dma_start3A_98 : memref<125xf32, #tpu.memory_space<vmem>>) target(%dma_start3A_103 : memref<10240xf32, #tpu.memory_space<vmem_shared>>) offsets(%dma_start3A_101 : memref<125xi32, #tpu.memory_space<vmem>>) semaphore(%arg9 : memref<!tpu.dma_semaphore, #tpu.memory_space<semaphore_mem>>) {add = true}
      %dma_start3A_104 = arith.constant 3 : i32
      %dma_start3A_105 = arith.constant 0 : i32
      %dma_start3A_106 = tpu.memref_slice %arg5[%dma_start3A_105] : memref<128xf32, #tpu.memory_space<vmem>> -> memref<125xf32, #tpu.memory_space<vmem>>
      %dma_start3A_107 = arith.constant 0 : i32
      %dma_start3A_108 = tpu.memref_slice %arg4[%select_n3A_79, %dma_start3A_104, %dma_start3A_107] : memref<2x8x125xi32, #tpu.memory_space<vmem>> -> memref<1x1x125xi32, #tpu.memory_space<vmem>>
      %dma_start3A_109 = tpu.memref_squeeze %dma_start3A_108 : memref<1x1x125xi32, #tpu.memory_space<vmem>> -> memref<125xi32, #tpu.memory_space<vmem>>
      %dma_start3A_110 = arith.constant 0 : i32
      %dma_start3A_111 = tpu.memref_slice %arg7[%dma_start3A_110] : memref<10240xf32, #tpu.memory_space<vmem_shared>> -> memref<10240xf32, #tpu.memory_space<vmem_shared>>
      tpu.enqueue_indirect_dma source(%dma_start3A_106 : memref<125xf32, #tpu.memory_space<vmem>>) target(%dma_start3A_111 : memref<10240xf32, #tpu.memory_space<vmem_shared>>) offsets(%dma_start3A_109 : memref<125xi32, #tpu.memory_space<vmem>>) semaphore(%arg9 : memref<!tpu.dma_semaphore, #tpu.memory_space<semaphore_mem>>) {add = true}
      %dma_start3A_112 = arith.constant 4 : i32
      %dma_start3A_113 = arith.constant 0 : i32
      %dma_start3A_114 = tpu.memref_slice %arg5[%dma_start3A_113] : memref<128xf32, #tpu.memory_space<vmem>> -> memref<125xf32, #tpu.memory_space<vmem>>
      %dma_start3A_115 = arith.constant 0 : i32
      %dma_start3A_116 = tpu.memref_slice %arg4[%select_n3A_79, %dma_start3A_112, %dma_start3A_115] : memref<2x8x125xi32, #tpu.memory_space<vmem>> -> memref<1x1x125xi32, #tpu.memory_space<vmem>>
      %dma_start3A_117 = tpu.memref_squeeze %dma_start3A_116 : memref<1x1x125xi32, #tpu.memory_space<vmem>> -> memref<125xi32, #tpu.memory_space<vmem>>
      %dma_start3A_118 = arith.constant 0 : i32
      %dma_start3A_119 = tpu.memref_slice %arg7[%dma_start3A_118] : memref<10240xf32, #tpu.memory_space<vmem_shared>> -> memref<10240xf32, #tpu.memory_space<vmem_shared>>
      tpu.enqueue_indirect_dma source(%dma_start3A_114 : memref<125xf32, #tpu.memory_space<vmem>>) target(%dma_start3A_119 : memref<10240xf32, #tpu.memory_space<vmem_shared>>) offsets(%dma_start3A_117 : memref<125xi32, #tpu.memory_space<vmem>>) semaphore(%arg9 : memref<!tpu.dma_semaphore, #tpu.memory_space<semaphore_mem>>) {add = true}
      %dma_start3A_120 = arith.constant 5 : i32
      %dma_start3A_121 = arith.constant 0 : i32
      %dma_start3A_122 = tpu.memref_slice %arg5[%dma_start3A_121] : memref<128xf32, #tpu.memory_space<vmem>> -> memref<125xf32, #tpu.memory_space<vmem>>
      %dma_start3A_123 = arith.constant 0 : i32
      %dma_start3A_124 = tpu.memref_slice %arg4[%select_n3A_79, %dma_start3A_120, %dma_start3A_123] : memref<2x8x125xi32, #tpu.memory_space<vmem>> -> memref<1x1x125xi32, #tpu.memory_space<vmem>>
      %dma_start3A_125 = tpu.memref_squeeze %dma_start3A_124 : memref<1x1x125xi32, #tpu.memory_space<vmem>> -> memref<125xi32, #tpu.memory_space<vmem>>
      %dma_start3A_126 = arith.constant 0 : i32
      %dma_start3A_127 = tpu.memref_slice %arg7[%dma_start3A_126] : memref<10240xf32, #tpu.memory_space<vmem_shared>> -> memref<10240xf32, #tpu.memory_space<vmem_shared>>
      tpu.enqueue_indirect_dma source(%dma_start3A_122 : memref<125xf32, #tpu.memory_space<vmem>>) target(%dma_start3A_127 : memref<10240xf32, #tpu.memory_space<vmem_shared>>) offsets(%dma_start3A_125 : memref<125xi32, #tpu.memory_space<vmem>>) semaphore(%arg9 : memref<!tpu.dma_semaphore, #tpu.memory_space<semaphore_mem>>) {add = true}
      %dma_start3A_128 = arith.constant 6 : i32
      %dma_start3A_129 = arith.constant 0 : i32
      %dma_start3A_130 = tpu.memref_slice %arg5[%dma_start3A_129] : memref<128xf32, #tpu.memory_space<vmem>> -> memref<125xf32, #tpu.memory_space<vmem>>
      %dma_start3A_131 = arith.constant 0 : i32
      %dma_start3A_132 = tpu.memref_slice %arg4[%select_n3A_79, %dma_start3A_128, %dma_start3A_131] : memref<2x8x125xi32, #tpu.memory_space<vmem>> -> memref<1x1x125xi32, #tpu.memory_space<vmem>>
      %dma_start3A_133 = tpu.memref_squeeze %dma_start3A_132 : memref<1x1x125xi32, #tpu.memory_space<vmem>> -> memref<125xi32, #tpu.memory_space<vmem>>
      %dma_start3A_134 = arith.constant 0 : i32
      %dma_start3A_135 = tpu.memref_slice %arg7[%dma_start3A_134] : memref<10240xf32, #tpu.memory_space<vmem_shared>> -> memref<10240xf32, #tpu.memory_space<vmem_shared>>
      tpu.enqueue_indirect_dma source(%dma_start3A_130 : memref<125xf32, #tpu.memory_space<vmem>>) target(%dma_start3A_135 : memref<10240xf32, #tpu.memory_space<vmem_shared>>) offsets(%dma_start3A_133 : memref<125xi32, #tpu.memory_space<vmem>>) semaphore(%arg9 : memref<!tpu.dma_semaphore, #tpu.memory_space<semaphore_mem>>) {add = true}
      %dma_start3A_136 = arith.constant 7 : i32
      %dma_start3A_137 = arith.constant 0 : i32
      %dma_start3A_138 = tpu.memref_slice %arg5[%dma_start3A_137] : memref<128xf32, #tpu.memory_space<vmem>> -> memref<125xf32, #tpu.memory_space<vmem>>
      %dma_start3A_139 = arith.constant 0 : i32
      %dma_start3A_140 = tpu.memref_slice %arg4[%select_n3A_79, %dma_start3A_136, %dma_start3A_139] : memref<2x8x125xi32, #tpu.memory_space<vmem>> -> memref<1x1x125xi32, #tpu.memory_space<vmem>>
      %dma_start3A_141 = tpu.memref_squeeze %dma_start3A_140 : memref<1x1x125xi32, #tpu.memory_space<vmem>> -> memref<125xi32, #tpu.memory_space<vmem>>
      %dma_start3A_142 = arith.constant 0 : i32
      %dma_start3A_143 = tpu.memref_slice %arg7[%dma_start3A_142] : memref<10240xf32, #tpu.memory_space<vmem_shared>> -> memref<10240xf32, #tpu.memory_space<vmem_shared>>
      tpu.enqueue_indirect_dma source(%dma_start3A_138 : memref<125xf32, #tpu.memory_space<vmem>>) target(%dma_start3A_143 : memref<10240xf32, #tpu.memory_space<vmem_shared>>) offsets(%dma_start3A_141 : memref<125xi32, #tpu.memory_space<vmem>>) semaphore(%arg9 : memref<!tpu.dma_semaphore, #tpu.memory_space<semaphore_mem>>) {add = true}
    }
    %scan3A_33 = arith.constant 10 : i32
    %scan3A_34 = arith.constant 0 : i32
    %scan3A_35 = arith.constant 80 : i32
    %scan3A_36 = arith.addi %scan3A_34, %scan3A_35 : i32
    %scan3A_37 = arith.constant 1 : i32
    scf.for %scan3A_44 = %scan3A_34 to %scan3A_36 step %scan3A_37  : i32 {
      %mul3A_45 = arith.constant 1 : i32
      %mul3A_46 = arith.muli %scan3A_44, %mul3A_45 : i32
      %add3A_47 = arith.constant 0 : i32
      %add3A_48 = arith.addi %add3A_47, %mul3A_46 : i32
      %dma_wait3A = arith.constant 0 : i32
      %dma_wait3A_49 = arith.constant 0 : i32
      %dma_wait3A_50 = arith.constant 0 : i32
      %dma_wait3A_51 = tpu.memref_slice %arg5[%dma_wait3A_50] : memref<128xf32, #tpu.memory_space<vmem>> -> memref<125xf32, #tpu.memory_space<vmem>>
      %dma_wait3A_52 = arith.constant 0 : i32
      %dma_wait3A_53 = tpu.memref_slice %arg4[%dma_wait3A, %dma_wait3A_49, %dma_wait3A_52] : memref<2x8x125xi32, #tpu.memory_space<vmem>> -> memref<1x1x125xi32, #tpu.memory_space<vmem>>
      %dma_wait3A_54 = tpu.memref_squeeze %dma_wait3A_53 : memref<1x1x125xi32, #tpu.memory_space<vmem>> -> memref<125xi32, #tpu.memory_space<vmem>>
      %dma_wait3A_55 = arith.constant 0 : i32
      %dma_wait3A_56 = tpu.memref_slice %arg7[%dma_wait3A_55] : memref<10240xf32, #tpu.memory_space<vmem_shared>> -> memref<10240xf32, #tpu.memory_space<vmem_shared>>
      tpu.wait_indirect_dma semaphore(%arg9 : memref<!tpu.dma_semaphore, #tpu.memory_space<semaphore_mem>>) src(%dma_wait3A_51 : memref<125xf32, #tpu.memory_space<vmem>>) dst(%dma_wait3A_56 : memref<10240xf32, #tpu.memory_space<vmem_shared>>)
    }
    %scan3A_38 = arith.constant 80 : i32
    %barrier3A_39 = arith.constant 0 : index
    tpu.barrier barrier_id(%barrier3A_39)
    %mul3A_40 = arith.constant 640 : i32
    %mul3A_41 = arith.muli %arg1, %mul3A_40 : i32
    %mul3A_42 = arith.constant 640 : i32
    %mul3A_43 = arith.muli %arg1, %mul3A_42 : i32
    "tpu.region"() ({
      %run_scoped3A = tpu.sem_alloc : memref<!tpu.dma_semaphore, #tpu.memory_space<semaphore_mem>>
      %dma_start3A_44 = tpu.memref_slice %arg3[%arg0, %mul3A_43] : memref<2x10240xf32, #tpu.memory_space<hbm>> -> memref<1x640xf32, #tpu.memory_space<hbm>>
      %dma_start3A_45 = tpu.memref_squeeze %dma_start3A_44 : memref<1x640xf32, #tpu.memory_space<hbm>> -> memref<640xf32, #tpu.memory_space<hbm>>
      %dma_start3A_46 = tpu.memref_slice %arg7[%mul3A_41] : memref<10240xf32, #tpu.memory_space<vmem_shared>> -> memref<640xf32, #tpu.memory_space<vmem_shared>>
      tpu.enqueue_dma source(%dma_start3A_46 : memref<640xf32, #tpu.memory_space<vmem_shared>>) target(%dma_start3A_45 : memref<640xf32, #tpu.memory_space<hbm>>) target_semaphore(%run_scoped3A : memref<!tpu.dma_semaphore, #tpu.memory_space<semaphore_mem>>)
      %dma_wait3A = tpu.memref_slice %arg3[%arg0, %mul3A_43] : memref<2x10240xf32, #tpu.memory_space<hbm>> -> memref<1x640xf32, #tpu.memory_space<hbm>>
      %dma_wait3A_47 = tpu.memref_squeeze %dma_wait3A : memref<1x640xf32, #tpu.memory_space<hbm>> -> memref<640xf32, #tpu.memory_space<hbm>>
      %dma_wait3A_48 = tpu.memref_slice %arg7[%mul3A_41] : memref<10240xf32, #tpu.memory_space<vmem_shared>> -> memref<640xf32, #tpu.memory_space<vmem_shared>>
      tpu.wait_dma2 semaphore(%run_scoped3A : memref<!tpu.dma_semaphore, #tpu.memory_space<semaphore_mem>>) src(%dma_wait3A_48 : memref<640xf32, #tpu.memory_space<vmem_shared>>) dst(%dma_wait3A_47 : memref<640xf32, #tpu.memory_space<hbm>>)
      tpu.yield
    }) : () -> ()
    return
  }
}

</mosaic_0001>

<sc_bundles>
// kernel: _deg_call.3.cloned.1.call-start
scs
__scs_entry_jumppad:
0x0: {  	(pc) =	sbr.rel $0x88, $3  }
0x1: {  	(tag) =	ssettag $0x0;
	lr =	simm.s32 $0x1  }
0x2: {  	[smem:$0x3FA0] =	sst lr;
	_ =	strace $0xD0000000  }
0x3: {  	_ = 	snop  }
0x4: {  	_ = 	snop  }
0x5: {  	_ = 	snop  }
0x6: {  	_ = 	snop  }
0x7: {  	_ = 	snop  }
__scs_overlays_trampoline_lowered:
0x8: {  	[smem:$0x3FAF] =	sst s0  }
0x9: {  	[smem:$0x3FB0] =	sst s1  }
0xa: {  	[smem:$0x3FB1] =	sst s2  }
0xb: {  	[smem:$0x3FB2] =	sst s3  }
0xc: {  	[smem:$0x3FB3] =	sst s4  }
0xd: {  	[smem:$0x3FB4] =	sst s5  }
0xe: {  	[smem:$0x3FB5] =	sst s6  }
0xf: {  	[smem:$0x3FB6] =	sst s7  }
0x10: {  	[smem:$0x3FB7] =	sst s8  }
0x11: {  	[smem:$0x3FB8] =	sst s9;
	s0 =	simm.s32 @!p0 $0x0  }
0x12: {  	s1 =	sld [smem:$0x3F9E];
	s0 =	simm.s32 @p0 $0x1  }
0x13: {  	[smem:$0x3FB9] =	sst s0;
	s0 =	simm.s32 @!p1 $0x0  }
0x14: {  	s2 =	sld [smem:$0x3F9D];
	s0 =	simm.s32 @p1 $0x1  }
0x15: {  	[smem:$0x3FBA] =	sst s0;
	s0 =	simm.s32 @!p2 $0x0  }
0x16: {  	s3 =	sld [smem:$0x3FDB];
	s0 =	simm.s32 @p2 $0x1  }
0x17: {  	s4 =	simm.s32 $0x1BF5;
	[smem:$0x3FBC] =	sst s0  }
0x18: {  	s0 =	sld [smem:$0x3F9F];
	_ =	swait.ge [sflag:s4], $0x0  }
0x19: {  	s7 =	sld [smem:$0x3FA0]  }
0x1a: {  	s8 =	sadd.s32 $0xFFFFE003, lr  }
0x1b: {  	s9 =	sadd.s32 $0xFFFFFEF7, lr;
	s5 =	simm.s32 $0xFFFFFFFF;
	p2 =	slt.u32 s8, $0xFFFFF086  }
0x1c: {  	p1 =	slt.u32 s9, $0xF7A;
	s5 =	simm.s32 @!p2 $0x0  }
0x1d: {  	s5 =	simm.s32 @p1 $0x1;
	p0 =	seq.s32 s7, s2  }
0x1e: {  	s7 =	smul.u32 @!p0 $0xF7A, s2;
	p2 =	seq.s32 @!p0 s5, $0x0  }
0x1f: {  	s9 =	smul.u32 $0xF7A, s1;
	s8 =	simm.s32 @!p0 $0x1BF5;
	p2 =	por !p2, p0  }
0x20: {  	[sflag:s8] =	ssyncset.s32 @!p0 $0xFFFFF086;
	s6 =	sadd.s32 @!p0 s3, s7;
	s7 =	simm.s32 @!p0 $0x108  }
0x21: {  	s3 =	sadd.s32 s3, s9;
	s6 =	sadd.s32 @!p0 $0x88, s6;
	s7 =	simm.s32 @p2 $0x1082  }
0x22: {  	[simem:s7], [sflag:s8] =	dma.local @!p0 [hbm:s6], $0xF7A  }
0x23: {  	s9 =	sor.u32 $0xD0000000, s2;
	s6 =	simm.s32 $0x108;
	_ =	swait.ge @!p0 [sflag:s8], $0x0  }
0x24: {  	s3 =	sadd.s32 $0x88, s3;
	s6 =	simm.s32 @!p1 $0x1082;
	[sflag:s4] =	ssyncset.s32 $0xFFFFF086  }
0x25: {  	[simem:s6], [sflag:s4] =	dma.local [hbm:s3], $0xF7A  }
0x26: {  	[smem:$0x3FA0] =	sst s1;
	(tag) =	ssettag s2;
	_ =	strace s9  }
0x27: {  	s1 =	sld [smem:$0x3FB0]  }
0x28: {  	s2 =	sld [smem:$0x3FB1]  }
0x29: {  	s4 =	sld [smem:$0x3FB3]  }
0x2a: {  	p0 =	seq.s32 s5, $0x0;
	s5 =	sld [smem:$0x3FB4]  }
0x2b: {  	s6 =	sld [smem:$0x3FB5]  }
0x2c: {  	s7 =	sld [smem:$0x3FB6]  }
0x2d: {  	s3 =	simm.s32 $0x108;
	s8 =	sld [smem:$0x3FB7]  }
0x2e: {  	s3 =	simm.s32 @!p0 $0x1082;
	s9 =	sld [smem:$0x3FB8]  }
0x2f: {  	lr =	sadd.s32 s0, s3;
	s0 =	sld [smem:$0x3FAF]  }
0x30: {  	s3 =	sld [smem:$0x3FB2]  }
0x31: {  	[smem:$0x3FBB] =	sst s10  }
0x32: {  	s10 =	sld [smem:$0x3FB9];
	_ =	sdelay $0x3  }
0x33: {  	p0 =	seq.s32 s10, $0x1;
	s10 =	sld [smem:$0x3FBB];
	_ =	sdelay $0x3  }
0x34: {  	[smem:$0x3FBB] =	sst s10  }
0x35: {  	s10 =	sld [smem:$0x3FBA];
	_ =	sdelay $0x3  }
0x36: {  	p1 =	seq.s32 s10, $0x1;
	s10 =	sld [smem:$0x3FBB];
	_ =	sdelay $0x3  }
0x37: {  	[smem:$0x3FBB] =	sst s10  }
0x38: {  	s10 =	sld [smem:$0x3FBC]  }
0x39: {  	_ = 	snop;
	(pc) =	sbr.ind lr, $3  }
0x3a: {  	_ = 	snop  }
0x3b: {  	_ = 	snop  }
0x3c: {  	p2 =	seq.s32 s10, $0x1;
	s10 =	sld [smem:$0x3FBB]  }
0x3d: {  	_ =	shalt  }
0x3e: {  	_ =	shalt  }
0x3f: {  	_ =	shalt  }
0x40: {  	_ =	shalt  }
0x41: {  	_ =	shalt  }
0x42: {  	_ =	shalt  }
0x43: {  	_ =	shalt  }
0x44: {  	_ =	shalt  }
0x45: {  	_ =	shalt  }
0x46: {  	_ =	shalt  }
0x47: {  	_ =	shalt  }
0x48: {  	_ =	shalt  }
0x49: {  	_ =	shalt  }
0x4a: {  	_ =	shalt  }
0x4b: {  	_ =	shalt  }
0x4c: {  	_ =	shalt  }
0x4d: {  	_ =	shalt  }
0x4e: {  	_ =	shalt  }
0x4f: {  	_ =	shalt  }
0x50: {  	_ =	shalt  }
0x51: {  	_ =	shalt  }
0x52: {  	_ =	shalt  }
0x53: {  	_ =	shalt  }
0x54: {  	_ =	shalt  }
0x55: {  	_ =	shalt  }
0x56: {  	_ =	shalt  }
0x57: {  	_ =	shalt  }
0x58: {  	_ =	shalt  }
0x59: {  	_ =	shalt  }
0x5a: {  	_ =	shalt  }
0x5b: {  	_ =	shalt  }
0x5c: {  	_ =	shalt  }
0x5d: {  	_ =	shalt  }
0x5e: {  	_ =	shalt  }
0x5f: {  	_ =	shalt  }
0x60: {  	_ =	shalt  }
0x61: {  	_ =	shalt  }
0x62: {  	_ =	shalt  }
0x63: {  	_ =	shalt  }
0x64: {  	_ =	shalt  }
0x65: {  	_ =	shalt  }
0x66: {  	_ =	shalt  }
0x67: {  	_ =	shalt  }
0x68: {  	_ =	shalt  }
0x69: {  	_ =	shalt  }
0x6a: {  	_ =	shalt  }
0x6b: {  	_ =	shalt  }
0x6c: {  	_ =	shalt  }
0x6d: {  	_ =	shalt  }
0x6e: {  	_ =	shalt  }
0x6f: {  	_ =	shalt  }
0x70: {  	_ =	shalt  }
0x71: {  	_ =	shalt  }
0x72: {  	_ =	shalt  }
0x73: {  	_ =	shalt  }
0x74: {  	_ =	shalt  }
0x75: {  	_ =	shalt  }
0x76: {  	_ =	shalt  }
0x77: {  	_ =	shalt  }
0x78: {  	_ =	shalt  }
0x79: {  	_ =	shalt  }
0x7a: {  	_ =	shalt  }
0x7b: {  	_ =	shalt  }
0x7c: {  	_ =	shalt  }
0x7d: {  	_ =	shalt  }
0x7e: {  	_ =	shalt  }
0x7f: {  	_ =	shalt  }
0x80: {  	_ =	shalt  }
0x81: {  	_ =	shalt  }
0x82: {  	_ =	shalt  }
0x83: {  	_ =	shalt  }
0x84: {  	_ =	shalt  }
0x85: {  	_ =	shalt  }
0x86: {  	_ =	shalt  }
0x87: {  	_ =	shalt  }
.Lfunc_end0:
.L_simem_size_0:
called_computation_lowered:
.L_overlay_start_0:
0x88: {  	s2 =	sld [smem:$0x3FD9]  }
0x89: {  	s3 =	sld [smem:$0x3FFE];
	_ =	sdelay $0x1  }
0x8a: {  	s1 =	srdreg.scid  }
0x8b: {  	s0 =	sand.u32 $0x1, s1  }
0x8c: {  	s18 =	sshll.u32 s0, $0xA;
	s2 =	sadd.s32 s3, s2  }
0x8d: {  	s2 =	sadd.s32 s2, s18  }
0x8e: {  	[smem:$0x3FC7] =	sst s2  }
0x8f: {  	_ = 	snop  }
0x90: {  	s2 =	sld [smem:$0x3FC9]  }
0x91: {  	s19 =	sld [smem:$0x3FD0];
	(tm) =	ssettm $0x1  }
0x92: {  	s4 =	sld [smem:$0x3FFB];
	_ =	sdelay $0x3  }
0x93: {  	_ =	strace s4  }
0x94: {  	s4 =	sld [smem:$0x3FFC];
	_ =	sdelay $0x3  }
0x95: {  	_ =	strace s4  }
0x96: {  	s4 =	sld [smem:$0x3FFD];
	_ =	sdelay $0x3  }
0x97: {  	_ =	strace s4  }
0x98: {  	_ =	strace $0x8FFFFFFF  }
0x99: {  	s20 =	sld [smem:$0x3FDB];
	_ =	sdelay $0x1  }
0x9a: {  	s5 =	simm.s32 $_scs_section_size  }
0x9b: {  	s6 =	simm.s32 $_size__tile_overlayer_lowered;
	s7 =	simm.s32 $_tile_overlayer_lowered  }
0x9c: {  	s23 =	simm.s32 $0x1BFF;
	s22 =	sshll.u32 s7, $0x1;
	s4 =	sadd.s32 s5, s20  }
0x9d: {  	s8 =	simm.s32 $0x0;
	s21 =	sshll.u32 s6, $0x1;
	s6 =	sadd.s32 s22, s4  }
0x9e: {  	[timem:s8], [sflag:s23] =	dma.local [hbm:s6], s21  }
0x9f: {  	_ =	swait.ge [sflag:s23], s21  }
0xa0: {  	s5 =	ssub.s32 $0x0, s21;
	[sflag:s23] =	ssyncset.done $0x0  }
0xa1: {  	[sflag:s23] =	ssyncadd.s32 s5;
	_ =	sdelay $0x1  }
0xa2: {  	s24 =	simm.s32 $0x1B8B  }
0xa3: {  	_ =	swait.ge [sflag:s24], $0x1  }
0xa4: {  	[sflag:s24] =	ssyncset.done $0x0  }
0xa5: {  	s25 =	simm.s32 $0x1B8E;
	[sflag:s24] =	ssyncadd.s32 $0xFFFFFFFF  }
0xa6: {  	s26 =	simm.s32 $execute0_lowered;
	[smem:$0x3FD2] =	sst s25  }
0xa7: {  	s5 =	sshll.u32 s26, $0x1;
	_ =	strace $0x80000046;
	[dreg:$0x1] =	wrdreg $0xFFFFFFFF  }
0xa8: {  	s28 =	simm.s32 $_size_execute0_lowered;
	s4 =	sadd.s32 s4, s5;
	[dreg:$0x0] =	wrdreg $0x0  }
0xa9: {  	s5 =	sshll.u32 s28, $0x1;
	[dreg:$0x2] =	wrdreg s4  }
0xaa: {  	[dreg:$0x3] =	wrdreg s5  }
0xab: {  	[dreg:$0x4] =	wrdreg $0xC0  }
0xac: {  	_ =	task [dreg:s8], $0x5FFFF  }
0xad: {  	[dreg:$0x1] =	wrdreg $0xFFFFFFFF  }
0xae: {  	[dreg:$0x0] =	wrdreg $0x60  }
0xaf: {  	[dreg:$0x2] =	wrdreg s2  }
0xb0: {  	[dreg:$0x3] =	wrdreg s19  }
0xb1: {  	[dreg:$0x4] =	wrdreg $0xB000  }
0xb2: {  	[dreg:$0x5] =	wrdreg $0x9  }
0xb3: {  	_ =	task.clear_ibuf [dreg:s8], $0x6FFFF;
	_ =	strace $0x90000046  }
0xb4: {  	s29 =	simm.s32 $0x9;
	_ =	strace $0x80000048  }
0xb5: {  	_ =	swait.ge [sflag:s29], $0x1  }
0xb6: {  	[sflag:s29] =	ssyncadd.s32 $0xFFFFFFFF  }
0xb7: {  	_ =	strace $0x90000048  }
0xb8: {  	_ =	sfence  }
0xb9: {  	s30 =	sld [smem:$0x0];
	_ =	sdelay $0x2  }
0xba: {  	s31 =	sshll.u32 s1, $0xD;
	s1 =	sshrl.u32 s1, $0x2  }
0xbb: {  	s3 =	sand.u32 $0x4000, s31;
	s1 =	sadd.s32 s1, s30  }
0xbc: {  	s0 =	sor.u32 s3, s0;
	s1 =	sshll.u32 s1, $0x11  }
0xbd: {  	s0 =	sor.u32 s1, s0  }
0xbe: {  	s0 =	sadd.s32 $0x8F2B, s0  }
0xbf: {  	[sflag:s0] =	ssyncadd.remote.s32 $0x1  }
0xc0: {  	_ =	sfence.sel $0xFFFF  }
0xc1: {  	[dreg:$0x0] =	wrdreg $0xFFFFFFFF;
	(pc) =	sbr.abs _section_cstart, $3  }
0xc2: {  	[dreg:$0x1] =	wrdreg $0xFFFFFFFF  }
0xc3: {  	_ =	task.clear_ibuf [dreg:s8], $0x2FFFF;
	_ =	strace $0x9FFFFFFF  }
0xc4: {  	(tm) =	ssettm $0x7FFFFFFF  }
0xc5: {  	_ =	shalt  }
tec
execute0_lowered:
.L_overlay_start_1:
0x0: {  	(tag) =	ssettag $0x1  }
0x1: {  	s0 =	rddreg [dreg:$0x0]  }
0x2: {  	s1 =	rddreg [dreg:$0x1];
	s3 =	srdreg.scid  }
0x3: {  	s9 =	stileid.u32;
	s2 =	rddreg [dreg:$0x2];
	s28 =	simm.s32 $0x280  }
0x4: {  	s29 =	simm.s32 $0x300;
	s30 =	simm.s32 $0x380;
	s31 =	simm.s32 $0x480  }
0x5: {  	s17 =	simm.s32 $0x600;
	s13 =	simm.s32 $0x20;
	s14 =	simm.s32 $0x10  }
0x6: {  	s4 =	sand.u32 $0x1, s3;
	s5 =	sshll.u32 s9, $0x1;
	s8 =	smul.u32 $0x500, s9  }
0x7: {  	s3 =	simm.s32 $0x0;
	s9 =	smul.u32 $0xA00, s9;
	s5 =	sor.u32 s4, s5  }
0x8: {  	[smem:$0x7FF] =	sst s3;
	s6 =	ssub.s32 $0x2, s4;
	s4 =	sshll.u32 s4, $0x7  }
0x9: {  	s5 =	smul.u32 $0x2800, s5;
	_ =	strace $0x80000047;
	s7 =	sshrl.u32 s6, $0x1  }
0xa: {  	s4 =	sor.u32 s4, s8;
	s18 =	sshrl.u32 s9, $0x2;
	s8 =	simm.s32 $0x2  }
0xb: {  	s9 =	simm.s32 $0x0;
	s6 =	ssub.s32 s6, s7;
	s4 =	sshrl.u32 s4, $0x3  }
0xc: {  	s7 =	simm.s32 $0x780;
	s5 =	sshrl.u32 s5, $0x3;
	s1 =	sadd.s32 s1, s4  }
0xd: {  	s19 =	smax.u32 s6, $0x1;
	s0 =	sadd.s32 s0, s5;
	[dreg:$0x5] =	wrdreg s1  }
0xe: {  	s4 =	simm.s32 $0x680;
	[dreg:$0x6] =	wrdreg s19;
	s5 =	sadd.s32 $0xA000, s0  }
0xf: {  	s6 =	simm.s32 $0x700;
	s20 =	sadd.s32 $0xA080, s0;
	[dreg:$0x4] =	wrdreg s5  }
0x10: {  	s19 =	simm.s32 $0x1;
	s21 =	sadd.s32 $0xA100, s0;
	[dreg:$0x7] =	wrdreg s20  }
0x11: {  	s1 =	simm.s32 $0x500;
	s22 =	sadd.s32 $0xA180, s0;
	[dreg:$0x8] =	wrdreg s21  }
0x12: {  	s23 =	sadd.s32 $0xA200, s0;
	s24 =	sadd.s32 $0xA280, s0;
	[dreg:$0x9] =	wrdreg s22  }
0x13: {  	s25 =	sadd.s32 $0xA300, s0;
	s26 =	sadd.s32 $0xA380, s0;
	[dreg:$0xa] =	wrdreg s23  }
0x14: {  	s15 =	sadd.s32 $0xA400, s0;
	s16 =	sadd.s32 $0xA480, s0;
	[dreg:$0xb] =	wrdreg s24  }
0x15: {  	s0 =	simm.s32 $0x580;
	s5 =	sadd.s32 s18, s2;
	[dreg:$0xc] =	wrdreg s25  }
0x16: {  	[dreg:$0xd] =	wrdreg s26;
	s18 =	simm.s32 $0x3;
	s20 =	simm.s32 $0x400  }
0x17: {  	s21 =	simm.s32 $0x7D;
	s22 =	simm.s32 $0x800;
	s23 =	simm.s32 $0x80  }
0x18: {  	v0 =	vimm.f32 $1.000000000e+00;
	v1 =	vimm.f32 $0.0e+00;
	s24 =	simm.s32 $0x100;
	s25 =	simm.s32 $0x180;
	s26 =	simm.s32 $0x200  }
.LBB2_1:
0x19: {  	s10 =	rddreg [dreg:$0x4]  }
0x1a: {  	[tilespmem:s3], [sflag:$0x1] =	stream.linear.gather [hbm4b:s10+s3], $0x400, $0x38;
	[tilespmem:$0xD80] =	vst v63  }
0x1b: {  	[tilespmem:$0x800] =	vst v0  }
0x1c: {  	[tilespmem:$0x810] =	vst v0  }
0x1d: {  	[tilespmem:$0x820] =	vst v0  }
0x1e: {  	[tilespmem:$0x830] =	vst v0  }
0x1f: {  	[tilespmem:$0x840] =	vst v0  }
0x20: {  	[tilespmem:$0x850] =	vst v0  }
0x21: {  	[tilespmem:$0x860] =	vst v0  }
0x22: {  	[tilespmem:$0x870] =	vst v0  }
0x23: {  	[tilespmem:$0x880] =	vst v1  }
0x24: {  	[tilespmem:$0x890] =	vst v1  }
0x25: {  	[tilespmem:$0x8A0] =	vst v1  }
0x26: {  	[tilespmem:$0x8B0] =	vst v1  }
0x27: {  	[tilespmem:$0x8C0] =	vst v1  }
0x28: {  	[tilespmem:$0x8D0] =	vst v1  }
0x29: {  	[tilespmem:$0x8E0] =	vst v1  }
0x2a: {  	[tilespmem:$0x8F0] =	vst v1  }
0x2b: {  	[tilespmem:$0x900] =	vst v1  }
0x2c: {  	[tilespmem:$0x910] =	vst v1  }
0x2d: {  	[tilespmem:$0x920] =	vst v1  }
0x2e: {  	[tilespmem:$0x930] =	vst v1  }
0x2f: {  	[tilespmem:$0x940] =	vst v1  }
0x30: {  	[tilespmem:$0x950] =	vst v1  }
0x31: {  	[tilespmem:$0x960] =	vst v1  }
0x32: {  	[tilespmem:$0x970] =	vst v1  }
0x33: {  	[tilespmem:$0x980] =	vst v1  }
0x34: {  	[tilespmem:$0x990] =	vst v1  }
0x35: {  	[tilespmem:$0x9A0] =	vst v1  }
0x36: {  	[tilespmem:$0x9B0] =	vst v1  }
0x37: {  	[tilespmem:$0x9C0] =	vst v1  }
0x38: {  	[tilespmem:$0x9D0] =	vst v1  }
0x39: {  	[tilespmem:$0x9E0] =	vst v1  }
0x3a: {  	[tilespmem:$0x9F0] =	vst v1  }
0x3b: {  	[tilespmem:$0xA00] =	vst v1  }
0x3c: {  	[tilespmem:$0xA10] =	vst v1  }
0x3d: {  	[tilespmem:$0xA20] =	vst v1  }
0x3e: {  	[tilespmem:$0xA30] =	vst v1  }
0x3f: {  	[tilespmem:$0xA40] =	vst v1  }
0x40: {  	[tilespmem:$0xA50] =	vst v1  }
0x41: {  	[tilespmem:$0xA60] =	vst v1  }
0x42: {  	[tilespmem:$0xA70] =	vst v1  }
0x43: {  	[tilespmem:$0xA80] =	vst v1  }
0x44: {  	[tilespmem:$0xA90] =	vst v1  }
0x45: {  	[tilespmem:$0xAA0] =	vst v1  }
0x46: {  	[tilespmem:$0xAB0] =	vst v1  }
0x47: {  	[tilespmem:$0xAC0] =	vst v1  }
0x48: {  	[tilespmem:$0xAD0] =	vst v1  }
0x49: {  	[tilespmem:$0xAE0] =	vst v1  }
0x4a: {  	s11 =	simm.s32 $0x880;
	[tilespmem:$0xAF0] =	vst v1  }
0x4b: {  	[spmem:s5] =	stream.linear.scatter [tilespmem:s11], [sflag:$0x3], $0x280, $0x38;
	[tilespmem:$0xD80] =	vst v63  }
0x4c: {  	_ =	swait.ge [sflag:s18], $0x280  }
0x4d: {  	[sflag:s18] =	ssyncset.done $0x0  }
0x4e: {  	[sflag:s18] =	ssyncadd.s32 $0xFFFFFD80  }
0x4f: {  	[bflag:$0x0] =	sbarrier.arrive $0xFFFF  }
0x50: {  	_ =	swait.ge [sflag:s19], $0x400  }
0x51: {  	[sflag:s19] =	ssyncset.done $0x0  }
0x52: {  	s12 =	rddreg [dreg:$0x7];
	[sflag:s19] =	ssyncadd.s32 $0xFFFFFC00  }
0x53: {  	[tilespmem:s20], [sflag:$0x1] =	stream.linear.gather [hbm4b:s12+s3], $0x400, $0x38;
	[tilespmem:$0xD80] =	vst v63  }
0x54: {  	_ = 	snop  }
0x55: {  	[spmem:s2] =	stream.indirect.scatter.add.f32 [tilespmem:s22], [sflag:$0x2], $0x1, s3, s21, $0xb8;
	[tilespmem:$0xD80] =	vst v63  }
0x56: {  	_ = 	snop  }
0x57: {  	[spmem:s2] =	stream.indirect.scatter.add.f32 [tilespmem:s22], [sflag:$0x2], $0x1, s23, s21, $0xb8;
	[tilespmem:$0xD80] =	vst v63  }
0x58: {  	_ = 	snop  }
0x59: {  	[spmem:s2] =	stream.indirect.scatter.add.f32 [tilespmem:s22], [sflag:$0x2], $0x1, s24, s21, $0xb8;
	[tilespmem:$0xD80] =	vst v63  }
0x5a: {  	_ = 	snop  }
0x5b: {  	[spmem:s2] =	stream.indirect.scatter.add.f32 [tilespmem:s22], [sflag:$0x2], $0x1, s25, s21, $0xb8;
	[tilespmem:$0xD80] =	vst v63  }
0x5c: {  	_ = 	snop  }
0x5d: {  	[spmem:s2] =	stream.indirect.scatter.add.f32 [tilespmem:s22], [sflag:$0x2], $0x1, s26, s21, $0xb8;
	[tilespmem:$0xD80] =	vst v63  }
0x5e: {  	_ = 	snop  }
0x5f: {  	[spmem:s2] =	stream.indirect.scatter.add.f32 [tilespmem:s22], [sflag:$0x2], $0x1, s28, s21, $0xb8;
	[tilespmem:$0xD80] =	vst v63  }
0x60: {  	_ = 	snop  }
0x61: {  	[spmem:s2] =	stream.indirect.scatter.add.f32 [tilespmem:s22], [sflag:$0x2], $0x1, s29, s21, $0xb8;
	[tilespmem:$0xD80] =	vst v63  }
0x62: {  	_ = 	snop  }
0x63: {  	[spmem:s2] =	stream.indirect.scatter.add.f32 [tilespmem:s22], [sflag:$0x2], $0x1, s30, s21, $0xb8;
	[tilespmem:$0xD80] =	vst v63  }
0x64: {  	_ =	swait.ge [sflag:s19], $0x400  }
0x65: {  	[sflag:s19] =	ssyncset.done $0x0  }
0x66: {  	s11 =	rddreg [dreg:$0x8];
	[sflag:s19] =	ssyncadd.s32 $0xFFFFFC00  }
0x67: {  	[tilespmem:s3], [sflag:$0x1] =	stream.linear.gather [hbm4b:s11+s3], $0x400, $0x38;
	[tilespmem:$0xD80] =	vst v63  }
0x68: {  	_ = 	snop  }
0x69: {  	[spmem:s2] =	stream.indirect.scatter.add.f32 [tilespmem:s22], [sflag:$0x2], $0x1, s20, s21, $0xb8;
	[tilespmem:$0xD80] =	vst v63  }
0x6a: {  	_ = 	snop  }
0x6b: {  	[spmem:s2] =	stream.indirect.scatter.add.f32 [tilespmem:s22], [sflag:$0x2], $0x1, s31, s21, $0xb8;
	[tilespmem:$0xD80] =	vst v63  }
0x6c: {  	_ = 	snop  }
0x6d: {  	[spmem:s2] =	stream.indirect.scatter.add.f32 [tilespmem:s22], [sflag:$0x2], $0x1, s1, s21, $0xb8;
	[tilespmem:$0xD80] =	vst v63  }
0x6e: {  	_ = 	snop  }
0x6f: {  	[spmem:s2] =	stream.indirect.scatter.add.f32 [tilespmem:s22], [sflag:$0x2], $0x1, s0, s21, $0xb8;
	[tilespmem:$0xD80] =	vst v63  }
0x70: {  	_ = 	snop  }
0x71: {  	[spmem:s2] =	stream.indirect.scatter.add.f32 [tilespmem:s22], [sflag:$0x2], $0x1, s17, s21, $0xb8;
	[tilespmem:$0xD80] =	vst v63  }
0x72: {  	_ = 	snop  }
0x73: {  	[spmem:s2] =	stream.indirect.scatter.add.f32 [tilespmem:s22], [sflag:$0x2], $0x1, s4, s21, $0xb8;
	[tilespmem:$0xD80] =	vst v63  }
0x74: {  	_ = 	snop  }
0x75: {  	[spmem:s2] =	stream.indirect.scatter.add.f32 [tilespmem:s22], [sflag:$0x2], $0x1, s6, s21, $0xb8;
	[tilespmem:$0xD80] =	vst v63  }
0x76: {  	_ = 	snop  }
0x77: {  	[spmem:s2] =	stream.indirect.scatter.add.f32 [tilespmem:s22], [sflag:$0x2], $0x1, s7, s21, $0xb8;
	[tilespmem:$0xD80] =	vst v63  }
0x78: {  	_ =	swait.ge [sflag:s19], $0x400  }
0x79: {  	[sflag:s19] =	ssyncset.done $0x0  }
0x7a: {  	s12 =	rddreg [dreg:$0x9];
	[sflag:s19] =	ssyncadd.s32 $0xFFFFFC00  }
0x7b: {  	[tilespmem:s20], [sflag:$0x1] =	stream.linear.gather [hbm4b:s12+s3], $0x400, $0x38;
	[tilespmem:$0xD80] =	vst v63  }
0x7c: {  	_ = 	snop  }
0x7d: {  	[spmem:s2] =	stream.indirect.scatter.add.f32 [tilespmem:s22], [sflag:$0x2], $0x1, s3, s21, $0xb8;
	[tilespmem:$0xD80] =	vst v63  }
0x7e: {  	_ = 	snop  }
0x7f: {  	[spmem:s2] =	stream.indirect.scatter.add.f32 [tilespmem:s22], [sflag:$0x2], $0x1, s23, s21, $0xb8;
	[tilespmem:$0xD80] =	vst v63  }
0x80: {  	_ = 	snop  }
0x81: {  	[spmem:s2] =	stream.indirect.scatter.add.f32 [tilespmem:s22], [sflag:$0x2], $0x1, s24, s21, $0xb8;
	[tilespmem:$0xD80] =	vst v63  }
0x82: {  	_ = 	snop  }
0x83: {  	[spmem:s2] =	stream.indirect.scatter.add.f32 [tilespmem:s22], [sflag:$0x2], $0x1, s25, s21, $0xb8;
	[tilespmem:$0xD80] =	vst v63  }
0x84: {  	_ = 	snop  }
0x85: {  	[spmem:s2] =	stream.indirect.scatter.add.f32 [tilespmem:s22], [sflag:$0x2], $0x1, s26, s21, $0xb8;
	[tilespmem:$0xD80] =	vst v63  }
0x86: {  	_ = 	snop  }
0x87: {  	[spmem:s2] =	stream.indirect.scatter.add.f32 [tilespmem:s22], [sflag:$0x2], $0x1, s28, s21, $0xb8;
	[tilespmem:$0xD80] =	vst v63  }
0x88: {  	_ = 	snop  }
0x89: {  	[spmem:s2] =	stream.indirect.scatter.add.f32 [tilespmem:s22], [sflag:$0x2], $0x1, s29, s21, $0xb8;
	[tilespmem:$0xD80] =	vst v63  }
0x8a: {  	_ = 	snop  }
0x8b: {  	[spmem:s2] =	stream.indirect.scatter.add.f32 [tilespmem:s22], [sflag:$0x2], $0x1, s30, s21, $0xb8;
	[tilespmem:$0xD80] =	vst v63  }
0x8c: {  	_ =	swait.ge [sflag:s19], $0x400  }
0x8d: {  	[sflag:s19] =	ssyncset.done $0x0  }
0x8e: {  	s11 =	rddreg [dreg:$0xa];
	[sflag:s19] =	ssyncadd.s32 $0xFFFFFC00  }
0x8f: {  	[tilespmem:s3], [sflag:$0x1] =	stream.linear.gather [hbm4b:s11+s3], $0x400, $0x38;
	[tilespmem:$0xD80] =	vst v63  }
0x90: {  	_ = 	snop  }
0x91: {  	[spmem:s2] =	stream.indirect.scatter.add.f32 [tilespmem:s22], [sflag:$0x2], $0x1, s20, s21, $0xb8;
	[tilespmem:$0xD80] =	vst v63  }
0x92: {  	_ = 	snop  }
0x93: {  	[spmem:s2] =	stream.indirect.scatter.add.f32 [tilespmem:s22], [sflag:$0x2], $0x1, s31, s21, $0xb8;
	[tilespmem:$0xD80] =	vst v63  }
0x94: {  	_ = 	snop  }
0x95: {  	[spmem:s2] =	stream.indirect.scatter.add.f32 [tilespmem:s22], [sflag:$0x2], $0x1, s1, s21, $0xb8;
	[tilespmem:$0xD80] =	vst v63  }
0x96: {  	_ = 	snop  }
0x97: {  	[spmem:s2] =	stream.indirect.scatter.add.f32 [tilespmem:s22], [sflag:$0x2], $0x1, s0, s21, $0xb8;
	[tilespmem:$0xD80] =	vst v63  }
0x98: {  	_ = 	snop  }
0x99: {  	[spmem:s2] =	stream.indirect.scatter.add.f32 [tilespmem:s22], [sflag:$0x2], $0x1, s17, s21, $0xb8;
	[tilespmem:$0xD80] =	vst v63  }
0x9a: {  	_ = 	snop  }
0x9b: {  	[spmem:s2] =	stream.indirect.scatter.add.f32 [tilespmem:s22], [sflag:$0x2], $0x1, s4, s21, $0xb8;
	[tilespmem:$0xD80] =	vst v63  }
0x9c: {  	_ = 	snop  }
0x9d: {  	[spmem:s2] =	stream.indirect.scatter.add.f32 [tilespmem:s22], [sflag:$0x2], $0x1, s6, s21, $0xb8;
	[tilespmem:$0xD80] =	vst v63  }
0x9e: {  	_ = 	snop  }
0x9f: {  	[spmem:s2] =	stream.indirect.scatter.add.f32 [tilespmem:s22], [sflag:$0x2], $0x1, s7, s21, $0xb8;
	[tilespmem:$0xD80] =	vst v63  }
0xa0: {  	_ =	swait.ge [sflag:s19], $0x400  }
0xa1: {  	[sflag:s19] =	ssyncset.done $0x0  }
0xa2: {  	s12 =	rddreg [dreg:$0xb];
	[sflag:s19] =	ssyncadd.s32 $0xFFFFFC00  }
0xa3: {  	[tilespmem:s20], [sflag:$0x1] =	stream.linear.gather [hbm4b:s12+s3], $0x400, $0x38;
	[tilespmem:$0xD80] =	vst v63  }
0xa4: {  	_ = 	snop  }
0xa5: {  	[spmem:s2] =	stream.indirect.scatter.add.f32 [tilespmem:s22], [sflag:$0x2], $0x1, s3, s21, $0xb8;
	[tilespmem:$0xD80] =	vst v63  }
0xa6: {  	_ = 	snop  }
0xa7: {  	[spmem:s2] =	stream.indirect.scatter.add.f32 [tilespmem:s22], [sflag:$0x2], $0x1, s23, s21, $0xb8;
	[tilespmem:$0xD80] =	vst v63  }
0xa8: {  	_ = 	snop  }
0xa9: {  	[spmem:s2] =	stream.indirect.scatter.add.f32 [tilespmem:s22], [sflag:$0x2], $0x1, s24, s21, $0xb8;
	[tilespmem:$0xD80] =	vst v63  }
0xaa: {  	_ = 	snop  }
0xab: {  	[spmem:s2] =	stream.indirect.scatter.add.f32 [tilespmem:s22], [sflag:$0x2], $0x1, s25, s21, $0xb8;
	[tilespmem:$0xD80] =	vst v63  }
0xac: {  	_ = 	snop  }
0xad: {  	[spmem:s2] =	stream.indirect.scatter.add.f32 [tilespmem:s22], [sflag:$0x2], $0x1, s26, s21, $0xb8;
	[tilespmem:$0xD80] =	vst v63  }
0xae: {  	_ = 	snop  }
0xaf: {  	[spmem:s2] =	stream.indirect.scatter.add.f32 [tilespmem:s22], [sflag:$0x2], $0x1, s28, s21, $0xb8;
	[tilespmem:$0xD80] =	vst v63  }
0xb0: {  	_ = 	snop  }
0xb1: {  	[spmem:s2] =	stream.indirect.scatter.add.f32 [tilespmem:s22], [sflag:$0x2], $0x1, s29, s21, $0xb8;
	[tilespmem:$0xD80] =	vst v63  }
0xb2: {  	_ = 	snop  }
0xb3: {  	[spmem:s2] =	stream.indirect.scatter.add.f32 [tilespmem:s22], [sflag:$0x2], $0x1, s30, s21, $0xb8;
	[tilespmem:$0xD80] =	vst v63  }
0xb4: {  	_ =	swait.ge [sflag:s19], $0x400  }
0xb5: {  	[sflag:s19] =	ssyncset.done $0x0  }
0xb6: {  	s11 =	rddreg [dreg:$0xc];
	[sflag:s19] =	ssyncadd.s32 $0xFFFFFC00  }
0xb7: {  	[tilespmem:s3], [sflag:$0x1] =	stream.linear.gather [hbm4b:s11+s3], $0x400, $0x38;
	[tilespmem:$0xD80] =	vst v63  }
0xb8: {  	_ = 	snop  }
0xb9: {  	[spmem:s2] =	stream.indirect.scatter.add.f32 [tilespmem:s22], [sflag:$0x2], $0x1, s20, s21, $0xb8;
	[tilespmem:$0xD80] =	vst v63  }
0xba: {  	_ = 	snop  }
0xbb: {  	[spmem:s2] =	stream.indirect.scatter.add.f32 [tilespmem:s22], [sflag:$0x2], $0x1, s31, s21, $0xb8;
	[tilespmem:$0xD80] =	vst v63  }
0xbc: {  	_ = 	snop  }
0xbd: {  	[spmem:s2] =	stream.indirect.scatter.add.f32 [tilespmem:s22], [sflag:$0x2], $0x1, s1, s21, $0xb8;
	[tilespmem:$0xD80] =	vst v63  }
0xbe: {  	_ = 	snop  }
0xbf: {  	[spmem:s2] =	stream.indirect.scatter.add.f32 [tilespmem:s22], [sflag:$0x2], $0x1, s0, s21, $0xb8;
	[tilespmem:$0xD80] =	vst v63  }
0xc0: {  	_ = 	snop  }
0xc1: {  	[spmem:s2] =	stream.indirect.scatter.add.f32 [tilespmem:s22], [sflag:$0x2], $0x1, s17, s21, $0xb8;
	[tilespmem:$0xD80] =	vst v63  }
0xc2: {  	_ = 	snop  }
0xc3: {  	[spmem:s2] =	stream.indirect.scatter.add.f32 [tilespmem:s22], [sflag:$0x2], $0x1, s4, s21, $0xb8;
	[tilespmem:$0xD80] =	vst v63  }
0xc4: {  	_ = 	snop  }
0xc5: {  	[spmem:s2] =	stream.indirect.scatter.add.f32 [tilespmem:s22], [sflag:$0x2], $0x1, s6, s21, $0xb8;
	[tilespmem:$0xD80] =	vst v63  }
0xc6: {  	_ = 	snop  }
0xc7: {  	[spmem:s2] =	stream.indirect.scatter.add.f32 [tilespmem:s22], [sflag:$0x2], $0x1, s7, s21, $0xb8;
	[tilespmem:$0xD80] =	vst v63  }
0xc8: {  	_ =	swait.ge [sflag:s19], $0x400  }
0xc9: {  	[sflag:s19] =	ssyncset.done $0x0  }
0xca: {  	s12 =	rddreg [dreg:$0xd];
	[sflag:s19] =	ssyncadd.s32 $0xFFFFFC00  }
0xcb: {  	[tilespmem:s20], [sflag:$0x1] =	stream.linear.gather [hbm4b:s12+s3], $0x400, $0x38;
	[tilespmem:$0xD80] =	vst v63  }
0xcc: {  	_ = 	snop  }
0xcd: {  	[spmem:s2] =	stream.indirect.scatter.add.f32 [tilespmem:s22], [sflag:$0x2], $0x1, s3, s21, $0xb8;
	[tilespmem:$0xD80] =	vst v63  }
0xce: {  	_ = 	snop  }
0xcf: {  	[spmem:s2] =	stream.indirect.scatter.add.f32 [tilespmem:s22], [sflag:$0x2], $0x1, s23, s21, $0xb8;
	[tilespmem:$0xD80] =	vst v63  }
0xd0: {  	_ = 	snop  }
0xd1: {  	[spmem:s2] =	stream.indirect.scatter.add.f32 [tilespmem:s22], [sflag:$0x2], $0x1, s24, s21, $0xb8;
	[tilespmem:$0xD80] =	vst v63  }
0xd2: {  	_ = 	snop  }
0xd3: {  	[spmem:s2] =	stream.indirect.scatter.add.f32 [tilespmem:s22], [sflag:$0x2], $0x1, s25, s21, $0xb8;
	[tilespmem:$0xD80] =	vst v63  }
0xd4: {  	_ = 	snop  }
0xd5: {  	[spmem:s2] =	stream.indirect.scatter.add.f32 [tilespmem:s22], [sflag:$0x2], $0x1, s26, s21, $0xb8;
	[tilespmem:$0xD80] =	vst v63  }
0xd6: {  	_ = 	snop  }
0xd7: {  	[spmem:s2] =	stream.indirect.scatter.add.f32 [tilespmem:s22], [sflag:$0x2], $0x1, s28, s21, $0xb8;
	[tilespmem:$0xD80] =	vst v63  }
0xd8: {  	_ = 	snop  }
0xd9: {  	[spmem:s2] =	stream.indirect.scatter.add.f32 [tilespmem:s22], [sflag:$0x2], $0x1, s29, s21, $0xb8;
	[tilespmem:$0xD80] =	vst v63  }
0xda: {  	_ = 	snop  }
0xdb: {  	[spmem:s2] =	stream.indirect.scatter.add.f32 [tilespmem:s22], [sflag:$0x2], $0x1, s30, s21, $0xb8;
	[tilespmem:$0xD80] =	vst v63  }
0xdc: {  	_ =	swait.ge [sflag:s19], $0x400  }
0xdd: {  	[sflag:s19] =	ssyncset.done $0x0  }
0xde: {  	[sflag:s19] =	ssyncadd.s32 $0xFFFFFC00  }
0xdf: {  	[tilespmem:s3], [sflag:$0x1] =	stream.linear.gather [hbm4b:s15+s3], $0x400, $0x38;
	[tilespmem:$0xD80] =	vst v63  }
0xe0: {  	_ = 	snop  }
0xe1: {  	[spmem:s2] =	stream.indirect.scatter.add.f32 [tilespmem:s22], [sflag:$0x2], $0x1, s20, s21, $0xb8;
	[tilespmem:$0xD80] =	vst v63  }
0xe2: {  	_ = 	snop  }
0xe3: {  	[spmem:s2] =	stream.indirect.scatter.add.f32 [tilespmem:s22], [sflag:$0x2], $0x1, s31, s21, $0xb8;
	[tilespmem:$0xD80] =	vst v63  }
0xe4: {  	_ = 	snop  }
0xe5: {  	[spmem:s2] =	stream.indirect.scatter.add.f32 [tilespmem:s22], [sflag:$0x2], $0x1, s1, s21, $0xb8;
	[tilespmem:$0xD80] =	vst v63  }
0xe6: {  	_ = 	snop  }
0xe7: {  	[spmem:s2] =	stream.indirect.scatter.add.f32 [tilespmem:s22], [sflag:$0x2], $0x1, s0, s21, $0xb8;
	[tilespmem:$0xD80] =	vst v63  }
0xe8: {  	_ = 	snop  }
0xe9: {  	[spmem:s2] =	stream.indirect.scatter.add.f32 [tilespmem:s22], [sflag:$0x2], $0x1, s17, s21, $0xb8;
	[tilespmem:$0xD80] =	vst v63  }
0xea: {  	_ = 	snop  }
0xeb: {  	[spmem:s2] =	stream.indirect.scatter.add.f32 [tilespmem:s22], [sflag:$0x2], $0x1, s4, s21, $0xb8;
	[tilespmem:$0xD80] =	vst v63  }
0xec: {  	_ = 	snop  }
0xed: {  	[spmem:s2] =	stream.indirect.scatter.add.f32 [tilespmem:s22], [sflag:$0x2], $0x1, s6, s21, $0xb8;
	[tilespmem:$0xD80] =	vst v63  }
0xee: {  	_ = 	snop  }
0xef: {  	[spmem:s2] =	stream.indirect.scatter.add.f32 [tilespmem:s22], [sflag:$0x2], $0x1, s7, s21, $0xb8;
	[tilespmem:$0xD80] =	vst v63  }
0xf0: {  	_ =	swait.ge [sflag:s19], $0x400  }
0xf1: {  	[sflag:s19] =	ssyncset.done $0x0  }
0xf2: {  	[sflag:s19] =	ssyncadd.s32 $0xFFFFFC00  }
0xf3: {  	[tilespmem:s20], [sflag:$0x1] =	stream.linear.gather [hbm4b:s16+s3], $0x400, $0x38;
	[tilespmem:$0xD80] =	vst v63  }
0xf4: {  	_ = 	snop  }
0xf5: {  	[spmem:s2] =	stream.indirect.scatter.add.f32 [tilespmem:s22], [sflag:$0x2], $0x1, s3, s21, $0xb8;
	[tilespmem:$0xD80] =	vst v63  }
0xf6: {  	_ = 	snop  }
0xf7: {  	[spmem:s2] =	stream.indirect.scatter.add.f32 [tilespmem:s22], [sflag:$0x2], $0x1, s23, s21, $0xb8;
	[tilespmem:$0xD80] =	vst v63  }
0xf8: {  	_ = 	snop  }
0xf9: {  	[spmem:s2] =	stream.indirect.scatter.add.f32 [tilespmem:s22], [sflag:$0x2], $0x1, s24, s21, $0xb8;
	[tilespmem:$0xD80] =	vst v63  }
0xfa: {  	_ = 	snop  }
0xfb: {  	[spmem:s2] =	stream.indirect.scatter.add.f32 [tilespmem:s22], [sflag:$0x2], $0x1, s25, s21, $0xb8;
	[tilespmem:$0xD80] =	vst v63  }
0xfc: {  	_ = 	snop  }
0xfd: {  	[spmem:s2] =	stream.indirect.scatter.add.f32 [tilespmem:s22], [sflag:$0x2], $0x1, s26, s21, $0xb8;
	[tilespmem:$0xD80] =	vst v63  }
0xfe: {  	_ = 	snop  }
0xff: {  	[spmem:s2] =	stream.indirect.scatter.add.f32 [tilespmem:s22], [sflag:$0x2], $0x1, s28, s21, $0xb8;
	[tilespmem:$0xD80] =	vst v63  }
0x100: {  	_ = 	snop  }
0x101: {  	[spmem:s2] =	stream.indirect.scatter.add.f32 [tilespmem:s22], [sflag:$0x2], $0x1, s29, s21, $0xb8;
	[tilespmem:$0xD80] =	vst v63  }
0x102: {  	_ = 	snop  }
0x103: {  	[spmem:s2] =	stream.indirect.scatter.add.f32 [tilespmem:s22], [sflag:$0x2], $0x1, s30, s21, $0xb8;
	[tilespmem:$0xD80] =	vst v63  }
0x104: {  	_ =	swait.ge [sflag:s19], $0x400  }
0x105: {  	[sflag:s19] =	ssyncset.done $0x0  }
0x106: {  	[sflag:s19] =	ssyncadd.s32 $0xFFFFFC00  }
0x107: {  	[spmem:s2] =	stream.indirect.scatter.add.f32 [tilespmem:s22], [sflag:$0x2], $0x1, s20, s21, $0xb8;
	[tilespmem:$0xD80] =	vst v63  }
0x108: {  	_ = 	snop  }
0x109: {  	[spmem:s2] =	stream.indirect.scatter.add.f32 [tilespmem:s22], [sflag:$0x2], $0x1, s31, s21, $0xb8;
	[tilespmem:$0xD80] =	vst v63  }
0x10a: {  	_ = 	snop  }
0x10b: {  	[spmem:s2] =	stream.indirect.scatter.add.f32 [tilespmem:s22], [sflag:$0x2], $0x1, s1, s21, $0xb8;
	[tilespmem:$0xD80] =	vst v63  }
0x10c: {  	_ = 	snop  }
0x10d: {  	[spmem:s2] =	stream.indirect.scatter.add.f32 [tilespmem:s22], [sflag:$0x2], $0x1, s0, s21, $0xb8;
	[tilespmem:$0xD80] =	vst v63  }
0x10e: {  	_ = 	snop  }
0x10f: {  	[spmem:s2] =	stream.indirect.scatter.add.f32 [tilespmem:s22], [sflag:$0x2], $0x1, s17, s21, $0xb8;
	[tilespmem:$0xD80] =	vst v63  }
0x110: {  	_ = 	snop  }
0x111: {  	[spmem:s2] =	stream.indirect.scatter.add.f32 [tilespmem:s22], [sflag:$0x2], $0x1, s4, s21, $0xb8;
	[tilespmem:$0xD80] =	vst v63  }
0x112: {  	_ = 	snop  }
0x113: {  	[spmem:s2] =	stream.indirect.scatter.add.f32 [tilespmem:s22], [sflag:$0x2], $0x1, s6, s21, $0xb8;
	[tilespmem:$0xD80] =	vst v63  }
0x114: {  	_ = 	snop  }
0x115: {  	[spmem:s2] =	stream.indirect.scatter.add.f32 [tilespmem:s22], [sflag:$0x2], $0x1, s7, s21, $0xb8;
	[tilespmem:$0xD80] =	vst v63  }
0x116: {  	_ =	swait.ge [sflag:s8], $0x7D  }
0x117: {  	s10 =	simm.s32 $0x4F;
	[sflag:s8] =	ssyncset.done $0x0  }
.LBB2_2:
0x118: {  	p0 =	sne.s32 s10, $0x1;
	s10 =	sadd.s32 $0xFFFFFFFF, s10;
	[sflag:s8] =	ssyncadd.s32 $0xFFFFFF83  }
.Ltmp0:
0x119: {  	(pc) =	sbr.rel @p0 .LBB2_2-.Ltmp0, $3  }
0x11a: {  	_ =	sdelay $0x1  }
0x11b: {  	_ =	swait.ge [sflag:s8], $0x7D  }
0x11c: {  	[sflag:s8] =	ssyncset.done $0x0  }
0x11d: {  	[sflag:s8] =	ssyncadd.s32 $0xFFFFFF83;
	s10 =	stileid.u32  }
0x11e: {  	s10 =	sshll.u32 s10, $0x6;
	[bflag:$0x0] =	sbarrier.arrive $0xFFFF  }
0x11f: {  	s11 =	sshrl.u32 s5, $0x3;
	s10 =	sor.u32 $0x1C03, s10;
	s12 =	rddreg [dreg:$0x5]  }
0x120: {  	[hbm:s12@s13], [sflag:s10] =	dma.strided [spmem:s11@s14], $0x50, s19, $0x10   }
0x121: {  	_ =	swait.ge [sflag:s18], $0x50  }
0x122: {  	s9 =	sadd.s32 $0x1, s9;
	s12 =	rddreg [dreg:$0x6]  }
0x123: {  	p0 =	sne.s32 s9, s12  }
.Ltmp1:
0x124: {  	_ = 	snop;
	(pc) =	sbr.rel @p0 .LBB2_1-.Ltmp1, $3  }
0x125: {  	_ =	sdelay $0x1  }
0x126: {  	[sflag:s18] =	ssyncset.done $0x0  }
0x127: {  	[sflag:s18] =	ssyncadd.s32 $0xFFFFFFB0  }
0x128: {  	_ =	sfence.sel $0x180000  }
0x129: {  	[bflag:$0x0] =	sbarrier.arrive $0xFFFF  }
0x12a: {  	_ =	strace $0x90000047  }
0x12b: {  	s0 =	stileid.u32;
	[bflag:$0x2] =	sbarrier.arrive $0xFFFF  }
0x12c: {  	p0 =	sne.s32 s0, $0x0;
	s0 =	rddreg [dreg:$0x3]  }
0x12d: {  	s0 =	sadd.s32 @!p0 $0x100000, s0  }
0x12e: {  	[sflag:s0] =	ssyncadd.tile.s32 @!p0 $0x1;
	_ =	shalt  }
.Lfunc_end2:
_tile_overlayer_lowered:
.L_overlay_start_2:
0x12f: {  	(tag) =	ssettag $0x2  }
0x130: {  	s0 =	rddreg [dreg:$0x0];
	s2 =	stileid.u32  }
0x131: {  	s1 =	rddreg [dreg:$0x1];
	p0 =	sne.s32 s2, $0x0  }
0x132: {  	s3 =	rddreg [dreg:$0x2];
	[bflag:$0x3] =	sbarrier.arrive $0xFFFF;
	s2 =	simm.s32 @!p0 $0x1C03  }
0x133: {  	[timem:s3], [sflag:s2] =	dma.local @!p0 [hbm:s0], s1  }
0x134: {  	s0 =	simm.s32 @!p0 $0x3  }
0x135: {  	_ =	swait.ge @!p0 [sflag:s0], s1  }
0x136: {  	s1 =	ssub.s32 @!p0 $0x0, s1;
	[sflag:s0] =	ssyncset.done @!p0 $0x0  }
0x137: {  	[sflag:s0] =	ssyncadd.s32 @!p0 s1  }
0x138: {  	[bflag:$0x3] =	sbarrier.arrive $0xFFFF  }
0x139: {  	_ =	shalt  }

</sc_bundles>
